<compile_context>
chip_gen: v7x
topology: tpu7x:2x2x1
jax: 0.10.2.dev20260603
libtpu: 0.0.44.dev20260713+nightly
codegen_flags: <defaults>
</compile_context>

<pallas_src>
import functools

import jax
import jax.numpy as jnp
from jax import lax
from jax.experimental import pallas as pl
from jax.experimental.pallas import tpu as pltpu
from jax.experimental.pallas import tpu_sc as plsc

NW = 32

_CD = [(4, 12), (5, 13), (4, 20), (5, 21), (4, 28), (5, 29)]
_CE = [0, 9, 17, 25]
_SROW = [((r % 12) // 4) * 2 + ((r % 12) % 4) // 2 for r in range(24)]


def _make_body(S, C):
    NFULL = S // C
    TAIL = S - NFULL * C
    NCHUNK = NFULL + (1 if TAIL else 0)
    TMAX = -(-NCHUNK // NW)
    G = C // 16
    GT = TAIL // 16

    def compute_groups(in_ref, in_off, pv_ref, pv_off, sat_ref, sat_off,
                       n_groups, width):
        @plsc.parallel_loop(0, n_groups, unroll=2)
        def gbody(j):
            off = j * 16

            def col(r):
                return in_ref[in_off + r, pl.ds(off, 16)]

            d = []
            for ca, cb in _CD:
                d.append(jnp.abs(col(ca) - col(cb)))
            ex = ((col(_CE[0]) > 0.8) & (col(_CE[1]) > 0.8)
                  & (col(_CE[2]) > 0.8) & (col(_CE[3]) > 0.8))
            dmin = jnp.minimum(
                jnp.minimum(jnp.minimum(d[0], d[1]),
                            jnp.minimum(d[2], d[3])),
                jnp.minimum(d[4], d[5]))
            sval = jnp.where(ex & (dmin < 1.0), 1.0, 0.0)
            for r in range(24):
                pv_ref[pv_off + r, pl.ds(off, 16)] = d[_SROW[r]]
            sat_ref[pl.ds(sat_off + off, 16)] = sval.astype(jnp.float32)

    def _sc_body(x_hbm, pv_hbm, sat_hbm,
                 in_v, pv_v, sat_v, int_v, pvt_v, satt_v, sem_in, sem_out):
        w = lax.axis_index("c") * 16 + lax.axis_index("s")

        def in_copy(t, b):
            base = (w + NW * t) * C
            return pltpu.make_async_copy(
                x_hbm.at[:, pl.ds(base, C)],
                in_v.at[pl.ds(b * 32, 32), :], sem_in)

        def pv_copy(t, b):
            base = (w + NW * t) * C
            return pltpu.make_async_copy(
                pv_v.at[pl.ds(b * 24, 24), :],
                pv_hbm.at[:, pl.ds(base, C)], sem_out)

        def sat_copy(t, b):
            base = (w + NW * t) * C
            return pltpu.make_async_copy(
                sat_v.at[pl.ds(b * C, C)],
                sat_hbm.at[pl.ds(base, C)], sem_out)

        def in_copy_tail():
            return pltpu.make_async_copy(
                x_hbm.at[:, pl.ds(NFULL * C, TAIL)], int_v, sem_in)

        def pv_copy_tail():
            return pltpu.make_async_copy(
                pvt_v, pv_hbm.at[:, pl.ds(NFULL * C, TAIL)], sem_out)

        def sat_copy_tail():
            return pltpu.make_async_copy(
                satt_v, sat_hbm.at[pl.ds(NFULL * C, TAIL)], sem_out)

        @pl.when(w < NFULL)
        def _pro():
            in_copy(0, 0).start()

        if TAIL:
            @pl.when(w == NFULL)
            def _prot():
                in_copy_tail().start()

        def chunk_body(t, c):
            i = w + NW * t
            b = lax.rem(t, 2)
            nxt = i + NW

            @pl.when(i < NFULL)
            def _go():
                in_copy(t, b).wait()

                @pl.when(nxt < NFULL)
                def _pre():
                    in_copy(t + 1, 1 - b).start()

                if TAIL:
                    @pl.when(nxt == NFULL)
                    def _pret():
                        in_copy_tail().start()

                compute_groups(in_v, b * 32, pv_v, b * 24,
                               sat_v, b * C, G, C)

                @pl.when(t >= 1)
                def _drain():
                    pv_copy(t - 1, 1 - b).wait()
                    sat_copy(t - 1, 1 - b).wait()

                pv_copy(t, b).start()
                sat_copy(t, b).start()

            if TAIL:
                @pl.when(i == NFULL)
                def _gotail():
                    in_copy_tail().wait()
                    compute_groups(int_v, 0, pvt_v, 0, satt_v, 0, GT, TAIL)

                    @pl.when(t >= 1)
                    def _draint():
                        pv_copy(t - 1, 1 - b).wait()
                        sat_copy(t - 1, 1 - b).wait()

                    pv_copy_tail().start()
                    sat_copy_tail().start()

            return c

        lax.fori_loop(0, TMAX, chunk_body, 0)

        @pl.when(w < NCHUNK)
        def _epi():
            nch = (NCHUNK - w + NW - 1) // NW
            tl = nch - 1
            il = w + NW * tl
            bl = lax.rem(tl, 2)

            @pl.when(il < NFULL)
            def _ef():
                pv_copy(tl, bl).wait()
                sat_copy(tl, bl).wait()

            if TAIL:
                @pl.when(il == NFULL)
                def _et():
                    pv_copy_tail().wait()
                    sat_copy_tail().wait()

    return _sc_body


@functools.lru_cache(maxsize=None)
def _make_program(S, C):
    TAIL = S - (S // C) * C
    return pl.kernel(
        _make_body(S, C),
        mesh=plsc.VectorSubcoreMesh(core_axis_name="c", subcore_axis_name="s"),
        compiler_params=pltpu.CompilerParams(needs_layout_passes=False,
                                             use_tc_tiling_on_sc=True),
        out_type=[jax.ShapeDtypeStruct((24, S), jnp.float32),
                  jax.ShapeDtypeStruct((S,), jnp.float32)],
        scratch_types=[pltpu.VMEM((64, C), jnp.float32),
                       pltpu.VMEM((48, C), jnp.float32),
                       pltpu.VMEM((2 * C,), jnp.float32),
                       pltpu.VMEM((32, max(TAIL, 16)), jnp.float32),
                       pltpu.VMEM((24, max(TAIL, 16)), jnp.float32),
                       pltpu.VMEM((max(TAIL, 16),), jnp.float32),
                       pltpu.SemaphoreType.DMA,
                       pltpu.SemaphoreType.DMA],
        name="ungrounded_micro_program_sc",
    )


def kernel(x, agent_obj_indices, fish_obj_indices):
    del agent_obj_indices, fish_obj_indices
    S = x.shape[0]
    C = 896 if S % 16 == 0 and S >= 896 else 16
    xt = jnp.transpose(x, (1, 2, 0)).reshape(32, S)
    pv, sat = _make_program(S, C)(xt)
    act = (jnp.broadcast_to(sat[None, :, None], (2, S, 3))
           * jnp.broadcast_to(jnp.array([1.0, 0.0, 0.0], jnp.float32),
                              (2, S, 3)))
    return act, pv

# --- scband reference (transcript-rebuilt; emitter-appended) ---
"""Pipeline reference for scband-ungrounded-micro-program-3504693313604 (READ-ONLY COPY).

The authoritative reference and input builder live on the scoring server;
editing this copy changes nothing except your own understanding.
"""

import jax, jax.numpy as jnp
import numpy as np

STATE_NUM = 1000000
N_OBJS = 4
N_PROPS = 8
OBJ_TYPE_NAMES = ["agent", "fish"]
TYPE_CODES = [[0, 1], [1, 0]]
PROP_CODES = [4, 5]
N_PREDS = 2
P_SATISFACTION = [True, True]
SMP_PARAM_UNIT = 0.05
ACTION = jnp.array([1.0, 0.0, 0.0], dtype=jnp.float32)
MASK = jnp.array([True, True])
P_SPACES = [jnp.arange(0.0, 1.0, SMP_PARAM_UNIT, dtype=jnp.float32) for _ in range(N_PREDS)]


def pred_eval(data_A, data_B, p_space):
    # grounded 'dist_close' predicate: satisfied if |A-B| lands within SMP_PARAM_UNIT
    # of some parameter in p_space; p_values is the measured distance.
    dist = jnp.abs(data_A - data_B)
    satisfy = jnp.any(jnp.abs(dist[:, None] - p_space[None, :]) < SMP_PARAM_UNIT, axis=-1)
    return satisfy, dist


def check_exists(x, obj_type_dict):
    state_num = x.shape[0]
    obj_type_num = len(TYPE_CODES)
    obj_type_exists = jnp.ones((state_num, obj_type_num), dtype=bool)
    for name, indices in obj_type_dict.items():
        if name in OBJ_TYPE_NAMES:
            positions = [i for i, n in enumerate(OBJ_TYPE_NAMES) if n == name]
            ii, pp = jnp.broadcast_arrays(jnp.asarray(indices), jnp.asarray(positions))
            exist_objs = x[:, ii, pp] > 0.8
            exist_type = jnp.all(exist_objs, axis=-1, keepdims=True)
            cols = obj_type_exists[:, np.array(positions)] & exist_type
            obj_type_exists = obj_type_exists.at[:, np.array(positions)].set(cols)
    exist_res = jnp.all(MASK[None, :] == obj_type_exists, axis=1)
    return exist_res


def _forward(x, agent_obj_indices, fish_obj_indices):
    obj_type_dict = {
        "agent": agent_obj_indices,
        "fish": fish_obj_indices,
    }
    state_num = x.shape[0]
    ap_list = []
    p_values_list = []
    for t_i, type_code in enumerate(TYPE_CODES):
        satisfies = jnp.zeros(state_num, dtype=bool)
        type_1_obj_codes = obj_type_dict[OBJ_TYPE_NAMES[type_code[0]]]
        type_2_obj_codes = obj_type_dict[OBJ_TYPE_NAMES[type_code[1]]]
        for obj_1 in type_1_obj_codes:
            for obj_2 in type_2_obj_codes:
                for prop_code in PROP_CODES:
                    data_A = x[:, obj_1, prop_code].reshape(-1)
                    data_B = x[:, obj_2, prop_code].reshape(-1)
                    obj_comb_satisfies = jnp.ones(state_num, dtype=bool)
                    for p_i in range(N_PREDS):
                        if not P_SATISFACTION[p_i]:
                            func_satisfy = jnp.ones(state_num, dtype=bool)
                            p_values = jnp.zeros(state_num, dtype=x.dtype)
                        else:
                            func_satisfy, p_values = pred_eval(data_A, data_B, P_SPACES[p_i])
                        p_values_list.append(p_values)
                        obj_comb_satisfies = obj_comb_satisfies & func_satisfy
                    satisfies = satisfies | obj_comb_satisfies
        exist_satisfy = check_exists(x, obj_type_dict)
        satisfies = satisfies & exist_satisfy
        # action_probs[t_i, satisfies] += action; then normalized x/(x+1e-20)
        normalized_action = ACTION / (ACTION + 1e-20)
        ap = jnp.where(satisfies[:, None], normalized_action[None, :], 0.0)
        ap_list.append(ap)
    action_probs = jnp.stack(ap_list, axis=0)
    p_values_all = jnp.stack(p_values_list, axis=0)
    return action_probs, p_values_all


def setup_inputs(seed: int = 0):
    key = jax.random.key(seed)
    x = jax.random.uniform(key, (STATE_NUM, N_OBJS, N_PROPS), dtype=jnp.float32)
    agent_obj_indices = jnp.zeros((1,), dtype=jnp.int32)
    fish_obj_indices = jnp.arange(3, dtype=jnp.int32) + 1
    return {"x": x, "agent_obj_indices": agent_obj_indices, "fish_obj_indices": fish_obj_indices}


def reference(x, agent_obj_indices, fish_obj_indices):
    return _forward(x, agent_obj_indices, fish_obj_indices)

if __name__ == "__main__":
    import jax
    _d = setup_inputs()
    print(jax.jit(kernel)(*tuple(_d.values())))

</pallas_src>

<mosaic_0001>
#map = affine_map<(d0, d1) -> (0, 0)>
#map1 = affine_map<(d0, d1) -> (0)>
module attributes {stable_mosaic.version = 14 : i64} {
  func.func @ungrounded_micro_program_sc(%arg0: i32, %arg1: i32, %arg2: memref<32x1000000xf32, #tpu.memory_space<hbm>>, %arg3: memref<24x1000000xf32, #tpu.memory_space<hbm>>, %arg4: memref<1000000xf32, #tpu.memory_space<hbm>>, %arg5: memref<64x896xf32, #tpu.memory_space<vmem>>, %arg6: memref<48x896xf32, #tpu.memory_space<vmem>>, %arg7: memref<1792xf32, #tpu.memory_space<vmem>>, %arg8: memref<32x64xf32, #tpu.memory_space<vmem>>, %arg9: memref<24x64xf32, #tpu.memory_space<vmem>>, %arg10: memref<64xf32, #tpu.memory_space<vmem>>, %arg11: memref<!tpu.dma_semaphore, #tpu.memory_space<semaphore_mem>>, %arg12: memref<!tpu.dma_semaphore, #tpu.memory_space<semaphore_mem>>) attributes {dimension_semantics = [#tpu.dimension_semantics<core_parallel>, #tpu.dimension_semantics<subcore_parallel>], iteration_bounds = array<i64: 2, 16>, scalar_prefetch = 0 : i64, scratch_operands = 8 : i64, tpu.core_type = #tpu.core_type<sc_vector_subcore>, window_params = [{transform_indices = #map}, {transform_indices = #map}, {transform_indices = #map1}]} {
    %mul3A = arith.constant 16 : i32
    %mul3A_0 = arith.muli %arg0, %mul3A : i32
    %add3A = arith.addi %mul3A_0, %arg1 : i32
    %lt3A = arith.constant 1116 : i32
    %lt3A_1 = arith.cmpi slt, %add3A, %lt3A : i32
    %convert_element_type3A = arith.extui %lt3A_1 : i1 to i32
    %cond3A = arith.constant 0 : i32
    %cond3A_2 = arith.cmpi ne, %convert_element_type3A, %cond3A : i32
    scf.if %cond3A_2 {
      %add3A_17 = arith.constant 0 : i32
      %add3A_18 = arith.addi %add3A, %add3A_17 : i32
      %mul3A_19 = arith.constant 896 : i32
      %mul3A_20 = arith.muli %add3A_18, %mul3A_19 : i32
      %dma_start3A = arith.constant 0 : i32
      %dma_start3A_21 = arith.constant 0 : i32
      %dma_start3A_22 = tpu.memref_slice %arg5[%dma_start3A, %dma_start3A_21] : memref<64x896xf32, #tpu.memory_space<vmem>> -> memref<32x896xf32, #tpu.memory_space<vmem>>
      %dma_start3A_23 = arith.constant 0 : i32
      %dma_start3A_24 = tpu.memref_slice %arg2[%dma_start3A_23, %mul3A_20] : memref<32x1000000xf32, #tpu.memory_space<hbm>> -> memref<32x896xf32, #tpu.memory_space<hbm>>
      %dma_start3A_25 = arith.constant 0 : i32
      %dma_start3A_26 = arith.constant 0 : i32
      %dma_start3A_27 = tpu.memref_slice %arg5[%dma_start3A_25, %dma_start3A_26] : memref<64x896xf32, #tpu.memory_space<vmem>> -> memref<32x896xf32, #tpu.memory_space<vmem>>
      %dma_start3A_28 = arith.constant 0 : i32
      %dma_start3A_29 = tpu.memref_slice %arg2[%dma_start3A_28, %mul3A_20] : memref<32x1000000xf32, #tpu.memory_space<hbm>> -> memref<32x896xf32, #tpu.memory_space<hbm>>
      tpu.enqueue_dma source(%dma_start3A_29 : memref<32x896xf32, #tpu.memory_space<hbm>>) target(%dma_start3A_27 : memref<32x896xf32, #tpu.memory_space<vmem>>) target_semaphore(%arg11 : memref<!tpu.dma_semaphore, #tpu.memory_space<semaphore_mem>>)
    } else {
    }
    %eq3A = arith.constant 1116 : i32
    %eq3A_3 = arith.cmpi eq, %add3A, %eq3A : i32
    %convert_element_type3A_4 = arith.extui %eq3A_3 : i1 to i32
    %cond3A_5 = arith.constant 0 : i32
    %cond3A_6 = arith.cmpi ne, %convert_element_type3A_4, %cond3A_5 : i32
    scf.if %cond3A_6 {
      %dma_start3A = arith.constant 0 : i32
      %dma_start3A_17 = arith.constant 999936 : i32
      %dma_start3A_18 = tpu.memref_slice %arg2[%dma_start3A, %dma_start3A_17] : memref<32x1000000xf32, #tpu.memory_space<hbm>> -> memref<32x64xf32, #tpu.memory_space<hbm>>
      %dma_start3A_19 = arith.constant 0 : i32
      %dma_start3A_20 = arith.constant 999936 : i32
      %dma_start3A_21 = tpu.memref_slice %arg2[%dma_start3A_19, %dma_start3A_20] : memref<32x1000000xf32, #tpu.memory_space<hbm>> -> memref<32x64xf32, #tpu.memory_space<hbm>>
      tpu.enqueue_dma source(%dma_start3A_21 : memref<32x64xf32, #tpu.memory_space<hbm>>) target(%arg8 : memref<32x64xf32, #tpu.memory_space<vmem>>) target_semaphore(%arg11 : memref<!tpu.dma_semaphore, #tpu.memory_space<semaphore_mem>>)
    } else {
    }
    %scan3A = arith.constant 0 : i32
    %scan3A_7 = arith.constant 0 : i32
    %scan3A_8 = arith.constant 35 : i32
    %scan3A_9 = arith.addi %scan3A_7, %scan3A_8 : i32
    %scan3A_10 = arith.constant 1 : i32
    scf.for %scan3A_17 = %scan3A_7 to %scan3A_9 step %scan3A_10  : i32 {
      %mul3A_18 = arith.constant 32 : i32
      %mul3A_19 = arith.muli %mul3A_18, %scan3A_17 : i32
      %add3A_20 = arith.addi %add3A, %mul3A_19 : i32
      %rem3A = arith.constant 2 : i32
      %rem3A_21 = arith.remsi %scan3A_17, %rem3A : i32
      %add3A_22 = arith.constant 32 : i32
      %add3A_23 = arith.addi %add3A_20, %add3A_22 : i32
      %lt3A_24 = arith.constant 1116 : i32
      %lt3A_25 = arith.cmpi slt, %add3A_20, %lt3A_24 : i32
      %convert_element_type3A_26 = arith.extui %lt3A_25 : i1 to i32
      %cond3A_27 = arith.constant 0 : i32
      %cond3A_28 = arith.cmpi ne, %convert_element_type3A_26, %cond3A_27 : i32
      scf.if %cond3A_28 {
        %mul3A_34 = arith.constant 32 : i32
        %mul3A_35 = arith.muli %mul3A_34, %scan3A_17 : i32
        %add3A_36 = arith.addi %add3A, %mul3A_35 : i32
        %mul3A_37 = arith.constant 896 : i32
        %mul3A_38 = arith.muli %add3A_36, %mul3A_37 : i32
        %mul3A_39 = arith.constant 32 : i32
        %mul3A_40 = arith.muli %rem3A_21, %mul3A_39 : i32
        %dma_wait3A = arith.constant 0 : i32
        %dma_wait3A_41 = tpu.memref_slice %arg5[%mul3A_40, %dma_wait3A] : memref<64x896xf32, #tpu.memory_space<vmem>> -> memref<32x896xf32, #tpu.memory_space<vmem>>
        %dma_wait3A_42 = arith.constant 0 : i32
        %dma_wait3A_43 = tpu.memref_slice %arg2[%dma_wait3A_42, %mul3A_38] : memref<32x1000000xf32, #tpu.memory_space<hbm>> -> memref<32x896xf32, #tpu.memory_space<hbm>>
        %dma_wait3A_44 = arith.constant 0 : i32
        %dma_wait3A_45 = tpu.memref_slice %arg5[%mul3A_40, %dma_wait3A_44] : memref<64x896xf32, #tpu.memory_space<vmem>> -> memref<32x896xf32, #tpu.memory_space<vmem>>
        %dma_wait3A_46 = arith.constant 0 : i32
        %dma_wait3A_47 = tpu.memref_slice %arg2[%dma_wait3A_46, %mul3A_38] : memref<32x1000000xf32, #tpu.memory_space<hbm>> -> memref<32x896xf32, #tpu.memory_space<hbm>>
        tpu.wait_dma2 semaphore(%arg11 : memref<!tpu.dma_semaphore, #tpu.memory_space<semaphore_mem>>) src(%dma_wait3A_47 : memref<32x896xf32, #tpu.memory_space<hbm>>) dst(%dma_wait3A_45 : memref<32x896xf32, #tpu.memory_space<vmem>>)
        %lt3A_48 = arith.constant 1116 : i32
        %lt3A_49 = arith.cmpi slt, %add3A_23, %lt3A_48 : i32
        %convert_element_type3A_50 = arith.extui %lt3A_49 : i1 to i32
        %cond3A_51 = arith.constant 0 : i32
        %cond3A_52 = arith.cmpi ne, %convert_element_type3A_50, %cond3A_51 : i32
        scf.if %cond3A_52 {
          %add3A_95 = arith.constant 1 : i32
          %add3A_96 = arith.addi %scan3A_17, %add3A_95 : i32
          %sub3A = arith.constant 1 : i32
          %sub3A_97 = arith.subi %sub3A, %rem3A_21 : i32
          %mul3A_98 = arith.constant 32 : i32
          %mul3A_99 = arith.muli %mul3A_98, %add3A_96 : i32
          %add3A_100 = arith.addi %add3A, %mul3A_99 : i32
          %mul3A_101 = arith.constant 896 : i32
          %mul3A_102 = arith.muli %add3A_100, %mul3A_101 : i32
          %mul3A_103 = arith.constant 32 : i32
          %mul3A_104 = arith.muli %sub3A_97, %mul3A_103 : i32
          %dma_start3A_105 = arith.constant 0 : i32
          %dma_start3A_106 = tpu.memref_slice %arg5[%mul3A_104, %dma_start3A_105] : memref<64x896xf32, #tpu.memory_space<vmem>> -> memref<32x896xf32, #tpu.memory_space<vmem>>
          %dma_start3A_107 = arith.constant 0 : i32
          %dma_start3A_108 = tpu.memref_slice %arg2[%dma_start3A_107, %mul3A_102] : memref<32x1000000xf32, #tpu.memory_space<hbm>> -> memref<32x896xf32, #tpu.memory_space<hbm>>
          %dma_start3A_109 = arith.constant 0 : i32
          %dma_start3A_110 = tpu.memref_slice %arg5[%mul3A_104, %dma_start3A_109] : memref<64x896xf32, #tpu.memory_space<vmem>> -> memref<32x896xf32, #tpu.memory_space<vmem>>
          %dma_start3A_111 = arith.constant 0 : i32
          %dma_start3A_112 = tpu.memref_slice %arg2[%dma_start3A_111, %mul3A_102] : memref<32x1000000xf32, #tpu.memory_space<hbm>> -> memref<32x896xf32, #tpu.memory_space<hbm>>
          tpu.enqueue_dma source(%dma_start3A_112 : memref<32x896xf32, #tpu.memory_space<hbm>>) target(%dma_start3A_110 : memref<32x896xf32, #tpu.memory_space<vmem>>) target_semaphore(%arg11 : memref<!tpu.dma_semaphore, #tpu.memory_space<semaphore_mem>>)
        } else {
        }
        %eq3A_53 = arith.constant 1116 : i32
        %eq3A_54 = arith.cmpi eq, %add3A_23, %eq3A_53 : i32
        %convert_element_type3A_55 = arith.extui %eq3A_54 : i1 to i32
        %cond3A_56 = arith.constant 0 : i32
        %cond3A_57 = arith.cmpi ne, %convert_element_type3A_55, %cond3A_56 : i32
        scf.if %cond3A_57 {
          %dma_start3A_95 = arith.constant 0 : i32
          %dma_start3A_96 = arith.constant 999936 : i32
          %dma_start3A_97 = tpu.memref_slice %arg2[%dma_start3A_95, %dma_start3A_96] : memref<32x1000000xf32, #tpu.memory_space<hbm>> -> memref<32x64xf32, #tpu.memory_space<hbm>>
          %dma_start3A_98 = arith.constant 0 : i32
          %dma_start3A_99 = arith.constant 999936 : i32
          %dma_start3A_100 = tpu.memref_slice %arg2[%dma_start3A_98, %dma_start3A_99] : memref<32x1000000xf32, #tpu.memory_space<hbm>> -> memref<32x64xf32, #tpu.memory_space<hbm>>
          tpu.enqueue_dma source(%dma_start3A_100 : memref<32x64xf32, #tpu.memory_space<hbm>>) target(%arg8 : memref<32x64xf32, #tpu.memory_space<vmem>>) target_semaphore(%arg11 : memref<!tpu.dma_semaphore, #tpu.memory_space<semaphore_mem>>)
        } else {
        }
        %mul3A_58 = arith.constant 32 : i32
        %mul3A_59 = arith.muli %rem3A_21, %mul3A_58 : i32
        %mul3A_60 = arith.constant 24 : i32
        %mul3A_61 = arith.muli %rem3A_21, %mul3A_60 : i32
        %mul3A_62 = arith.constant 896 : i32
        %mul3A_63 = arith.muli %rem3A_21, %mul3A_62 : i32
        %parallel_loop3A = arith.constant 0 : i32
        %parallel_loop3A_64 = arith.constant 56 : i32
        %parallel_loop3A_65 = arith.constant 1 : i32
        scf.for %parallel_loop3A_95 = %parallel_loop3A to %parallel_loop3A_64 step %parallel_loop3A_65  : i32 {
          %parallel_loop3A_96 = arith.constant 16 : i32
          %parallel_loop3A_97 = arith.muli %parallel_loop3A_95, %parallel_loop3A_96 : i32
          %parallel_loop3A_98 = arith.constant 4 : i32
          %parallel_loop3A_99 = arith.addi %mul3A_59, %parallel_loop3A_98 : i32
          %parallel_loop3A_100 = arith.index_cast %parallel_loop3A_99 : i32 to index
          %parallel_loop3A_101 = arith.index_cast %parallel_loop3A_97 : i32 to index
          %parallel_loop3A_102 = tpu.vector_load %arg5[%parallel_loop3A_100, %parallel_loop3A_101] {strides = array<i32>} : memref<64x896xf32, #tpu.memory_space<vmem>>, vector<16xf32>,
          %parallel_loop3A_103 = arith.constant 12 : i32
          %parallel_loop3A_104 = arith.addi %mul3A_59, %parallel_loop3A_103 : i32
          %parallel_loop3A_105 = arith.index_cast %parallel_loop3A_104 : i32 to index
          %parallel_loop3A_106 = arith.index_cast %parallel_loop3A_97 : i32 to index
          %parallel_loop3A_107 = tpu.vector_load %arg5[%parallel_loop3A_105, %parallel_loop3A_106] {strides = array<i32>} : memref<64x896xf32, #tpu.memory_space<vmem>>, vector<16xf32>,
          %parallel_loop3A_108 = arith.subf %parallel_loop3A_102, %parallel_loop3A_107 : vector<16xf32>
          %parallel_loop3A_109 = math.absf %parallel_loop3A_108 : vector<16xf32>
          %parallel_loop3A_110 = arith.constant 5 : i32
          %parallel_loop3A_111 = arith.addi %mul3A_59, %parallel_loop3A_110 : i32
          %parallel_loop3A_112 = arith.index_cast %parallel_loop3A_111 : i32 to index
          %parallel_loop3A_113 = arith.index_cast %parallel_loop3A_97 : i32 to index
          %parallel_loop3A_114 = tpu.vector_load %arg5[%parallel_loop3A_112, %parallel_loop3A_113] {strides = array<i32>} : memref<64x896xf32, #tpu.memory_space<vmem>>, vector<16xf32>,
          %parallel_loop3A_115 = arith.constant 13 : i32
          %parallel_loop3A_116 = arith.addi %mul3A_59, %parallel_loop3A_115 : i32
          %parallel_loop3A_117 = arith.index_cast %parallel_loop3A_116 : i32 to index
          %parallel_loop3A_118 = arith.index_cast %parallel_loop3A_97 : i32 to index
          %parallel_loop3A_119 = tpu.vector_load %arg5[%parallel_loop3A_117, %parallel_loop3A_118] {strides = array<i32>} : memref<64x896xf32, #tpu.memory_space<vmem>>, vector<16xf32>,
          %parallel_loop3A_120 = arith.subf %parallel_loop3A_114, %parallel_loop3A_119 : vector<16xf32>
          %parallel_loop3A_121 = math.absf %parallel_loop3A_120 : vector<16xf32>
          %parallel_loop3A_122 = arith.constant 4 : i32
          %parallel_loop3A_123 = arith.addi %mul3A_59, %parallel_loop3A_122 : i32
          %parallel_loop3A_124 = arith.index_cast %parallel_loop3A_123 : i32 to index
          %parallel_loop3A_125 = arith.index_cast %parallel_loop3A_97 : i32 to index
          %parallel_loop3A_126 = tpu.vector_load %arg5[%parallel_loop3A_124, %parallel_loop3A_125] {strides = array<i32>} : memref<64x896xf32, #tpu.memory_space<vmem>>, vector<16xf32>,
          %parallel_loop3A_127 = arith.constant 20 : i32
          %parallel_loop3A_128 = arith.addi %mul3A_59, %parallel_loop3A_127 : i32
          %parallel_loop3A_129 = arith.index_cast %parallel_loop3A_128 : i32 to index
          %parallel_loop3A_130 = arith.index_cast %parallel_loop3A_97 : i32 to index
          %parallel_loop3A_131 = tpu.vector_load %arg5[%parallel_loop3A_129, %parallel_loop3A_130] {strides = array<i32>} : memref<64x896xf32, #tpu.memory_space<vmem>>, vector<16xf32>,
          %parallel_loop3A_132 = arith.subf %parallel_loop3A_126, %parallel_loop3A_131 : vector<16xf32>
          %parallel_loop3A_133 = math.absf %parallel_loop3A_132 : vector<16xf32>
          %parallel_loop3A_134 = arith.constant 5 : i32
          %parallel_loop3A_135 = arith.addi %mul3A_59, %parallel_loop3A_134 : i32
          %parallel_loop3A_136 = arith.index_cast %parallel_loop3A_135 : i32 to index
          %parallel_loop3A_137 = arith.index_cast %parallel_loop3A_97 : i32 to index
          %parallel_loop3A_138 = tpu.vector_load %arg5[%parallel_loop3A_136, %parallel_loop3A_137] {strides = array<i32>} : memref<64x896xf32, #tpu.memory_space<vmem>>, vector<16xf32>,
          %parallel_loop3A_139 = arith.constant 21 : i32
          %parallel_loop3A_140 = arith.addi %mul3A_59, %parallel_loop3A_139 : i32
          %parallel_loop3A_141 = arith.index_cast %parallel_loop3A_140 : i32 to index
          %parallel_loop3A_142 = arith.index_cast %parallel_loop3A_97 : i32 to index
          %parallel_loop3A_143 = tpu.vector_load %arg5[%parallel_loop3A_141, %parallel_loop3A_142] {strides = array<i32>} : memref<64x896xf32, #tpu.memory_space<vmem>>, vector<16xf32>,
          %parallel_loop3A_144 = arith.subf %parallel_loop3A_138, %parallel_loop3A_143 : vector<16xf32>
          %parallel_loop3A_145 = math.absf %parallel_loop3A_144 : vector<16xf32>
          %parallel_loop3A_146 = arith.constant 4 : i32
          %parallel_loop3A_147 = arith.addi %mul3A_59, %parallel_loop3A_146 : i32
          %parallel_loop3A_148 = arith.index_cast %parallel_loop3A_147 : i32 to index
          %parallel_loop3A_149 = arith.index_cast %parallel_loop3A_97 : i32 to index
          %parallel_loop3A_150 = tpu.vector_load %arg5[%parallel_loop3A_148, %parallel_loop3A_149] {strides = array<i32>} : memref<64x896xf32, #tpu.memory_space<vmem>>, vector<16xf32>,
          %parallel_loop3A_151 = arith.constant 28 : i32
          %parallel_loop3A_152 = arith.addi %mul3A_59, %parallel_loop3A_151 : i32
          %parallel_loop3A_153 = arith.index_cast %parallel_loop3A_152 : i32 to index
          %parallel_loop3A_154 = arith.index_cast %parallel_loop3A_97 : i32 to index
          %parallel_loop3A_155 = tpu.vector_load %arg5[%parallel_loop3A_153, %parallel_loop3A_154] {strides = array<i32>} : memref<64x896xf32, #tpu.memory_space<vmem>>, vector<16xf32>,
          %parallel_loop3A_156 = arith.subf %parallel_loop3A_150, %parallel_loop3A_155 : vector<16xf32>
          %parallel_loop3A_157 = math.absf %parallel_loop3A_156 : vector<16xf32>
          %parallel_loop3A_158 = arith.constant 5 : i32
          %parallel_loop3A_159 = arith.addi %mul3A_59, %parallel_loop3A_158 : i32
          %parallel_loop3A_160 = arith.index_cast %parallel_loop3A_159 : i32 to index
          %parallel_loop3A_161 = arith.index_cast %parallel_loop3A_97 : i32 to index
          %parallel_loop3A_162 = tpu.vector_load %arg5[%parallel_loop3A_160, %parallel_loop3A_161] {strides = array<i32>} : memref<64x896xf32, #tpu.memory_space<vmem>>, vector<16xf32>,
          %parallel_loop3A_163 = arith.constant 29 : i32
          %parallel_loop3A_164 = arith.addi %mul3A_59, %parallel_loop3A_163 : i32
          %parallel_loop3A_165 = arith.index_cast %parallel_loop3A_164 : i32 to index
          %parallel_loop3A_166 = arith.index_cast %parallel_loop3A_97 : i32 to index
          %parallel_loop3A_167 = tpu.vector_load %arg5[%parallel_loop3A_165, %parallel_loop3A_166] {strides = array<i32>} : memref<64x896xf32, #tpu.memory_space<vmem>>, vector<16xf32>,
          %parallel_loop3A_168 = arith.subf %parallel_loop3A_162, %parallel_loop3A_167 : vector<16xf32>
          %parallel_loop3A_169 = math.absf %parallel_loop3A_168 : vector<16xf32>
          %parallel_loop3A_170 = arith.constant 0 : i32
          %parallel_loop3A_171 = arith.addi %mul3A_59, %parallel_loop3A_170 : i32
          %parallel_loop3A_172 = arith.index_cast %parallel_loop3A_171 : i32 to index
          %parallel_loop3A_173 = arith.index_cast %parallel_loop3A_97 : i32 to index
          %parallel_loop3A_174 = tpu.vector_load %arg5[%parallel_loop3A_172, %parallel_loop3A_173] {strides = array<i32>} : memref<64x896xf32, #tpu.memory_space<vmem>>, vector<16xf32>,
          %parallel_loop3A_175 = arith.constant 8.000000e-01 : f32
          %parallel_loop3A_176 = vector.broadcast %parallel_loop3A_175 : f32 to vector<16xf32>
          %parallel_loop3A_177 = arith.cmpf ogt, %parallel_loop3A_174, %parallel_loop3A_176 : vector<16xf32>
          %parallel_loop3A_178 = arith.constant 9 : i32
          %parallel_loop3A_179 = arith.addi %mul3A_59, %parallel_loop3A_178 : i32
          %parallel_loop3A_180 = arith.index_cast %parallel_loop3A_179 : i32 to index
          %parallel_loop3A_181 = arith.index_cast %parallel_loop3A_97 : i32 to index
          %parallel_loop3A_182 = tpu.vector_load %arg5[%parallel_loop3A_180, %parallel_loop3A_181] {strides = array<i32>} : memref<64x896xf32, #tpu.memory_space<vmem>>, vector<16xf32>,
          %parallel_loop3A_183 = arith.constant 8.000000e-01 : f32
          %parallel_loop3A_184 = vector.broadcast %parallel_loop3A_183 : f32 to vector<16xf32>
          %parallel_loop3A_185 = arith.cmpf ogt, %parallel_loop3A_182, %parallel_loop3A_184 : vector<16xf32>
          %parallel_loop3A_186 = arith.andi %parallel_loop3A_177, %parallel_loop3A_185 : vector<16xi1>
          %parallel_loop3A_187 = arith.constant 17 : i32
          %parallel_loop3A_188 = arith.addi %mul3A_59, %parallel_loop3A_187 : i32
          %parallel_loop3A_189 = arith.index_cast %parallel_loop3A_188 : i32 to index
          %parallel_loop3A_190 = arith.index_cast %parallel_loop3A_97 : i32 to index
          %parallel_loop3A_191 = tpu.vector_load %arg5[%parallel_loop3A_189, %parallel_loop3A_190] {strides = array<i32>} : memref<64x896xf32, #tpu.memory_space<vmem>>, vector<16xf32>,
          %parallel_loop3A_192 = arith.constant 8.000000e-01 : f32
          %parallel_loop3A_193 = vector.broadcast %parallel_loop3A_192 : f32 to vector<16xf32>
          %parallel_loop3A_194 = arith.cmpf ogt, %parallel_loop3A_191, %parallel_loop3A_193 : vector<16xf32>
          %parallel_loop3A_195 = arith.andi %parallel_loop3A_186, %parallel_loop3A_194 : vector<16xi1>
          %parallel_loop3A_196 = arith.constant 25 : i32
          %parallel_loop3A_197 = arith.addi %mul3A_59, %parallel_loop3A_196 : i32
          %parallel_loop3A_198 = arith.index_cast %parallel_loop3A_197 : i32 to index
          %parallel_loop3A_199 = arith.index_cast %parallel_loop3A_97 : i32 to index
          %parallel_loop3A_200 = tpu.vector_load %arg5[%parallel_loop3A_198, %parallel_loop3A_199] {strides = array<i32>} : memref<64x896xf32, #tpu.memory_space<vmem>>, vector<16xf32>,
          %parallel_loop3A_201 = arith.constant 8.000000e-01 : f32
          %parallel_loop3A_202 = vector.broadcast %parallel_loop3A_201 : f32 to vector<16xf32>
          %parallel_loop3A_203 = arith.cmpf ogt, %parallel_loop3A_200, %parallel_loop3A_202 : vector<16xf32>
          %parallel_loop3A_204 = arith.andi %parallel_loop3A_195, %parallel_loop3A_203 : vector<16xi1>
          %parallel_loop3A_205 = arith.minimumf %parallel_loop3A_109, %parallel_loop3A_121 : vector<16xf32>
          %parallel_loop3A_206 = arith.minimumf %parallel_loop3A_133, %parallel_loop3A_145 : vector<16xf32>
          %parallel_loop3A_207 = arith.minimumf %parallel_loop3A_205, %parallel_loop3A_206 : vector<16xf32>
          %parallel_loop3A_208 = arith.minimumf %parallel_loop3A_157, %parallel_loop3A_169 : vector<16xf32>
          %parallel_loop3A_209 = arith.minimumf %parallel_loop3A_207, %parallel_loop3A_208 : vector<16xf32>
          %parallel_loop3A_210 = arith.constant 1.000000e+00 : f32
          %parallel_loop3A_211 = vector.broadcast %parallel_loop3A_210 : f32 to vector<16xf32>
          %parallel_loop3A_212 = arith.cmpf olt, %parallel_loop3A_209, %parallel_loop3A_211 : vector<16xf32>
          %parallel_loop3A_213 = arith.andi %parallel_loop3A_204, %parallel_loop3A_212 : vector<16xi1>
          %parallel_loop3A_214 = arith.constant 1.000000e+00 : f32
          %parallel_loop3A_215 = arith.constant 0.000000e+00 : f32
          %parallel_loop3A_216 = vector.broadcast %parallel_loop3A_214 : f32 to vector<16xf32>
          %parallel_loop3A_217 = vector.broadcast %parallel_loop3A_215 : f32 to vector<16xf32>
          %parallel_loop3A_218 = arith.select %parallel_loop3A_213, %parallel_loop3A_216, %parallel_loop3A_217 : vector<16xi1>, vector<16xf32>
          %parallel_loop3A_219 = arith.constant 0 : i32
          %parallel_loop3A_220 = arith.addi %mul3A_61, %parallel_loop3A_219 : i32
          %parallel_loop3A_221 = arith.index_cast %parallel_loop3A_220 : i32 to index
          %parallel_loop3A_222 = arith.index_cast %parallel_loop3A_97 : i32 to index
          %parallel_loop3A_223 = tpu.vector_load %arg6[%parallel_loop3A_221, %parallel_loop3A_222] {strides = array<i32>} : memref<48x896xf32, #tpu.memory_space<vmem>>, vector<16xf32>,
          tpu.vector_store %arg6[%parallel_loop3A_221, %parallel_loop3A_222], %parallel_loop3A_109 {strides = array<i32>} : memref<48x896xf32, #tpu.memory_space<vmem>>, vector<16xf32>,
          %parallel_loop3A_224 = arith.constant 1 : i32
          %parallel_loop3A_225 = arith.addi %mul3A_61, %parallel_loop3A_224 : i32
          %parallel_loop3A_226 = arith.index_cast %parallel_loop3A_225 : i32 to index
          %parallel_loop3A_227 = arith.index_cast %parallel_loop3A_97 : i32 to index
          %parallel_loop3A_228 = tpu.vector_load %arg6[%parallel_loop3A_226, %parallel_loop3A_227] {strides = array<i32>} : memref<48x896xf32, #tpu.memory_space<vmem>>, vector<16xf32>,
          tpu.vector_store %arg6[%parallel_loop3A_226, %parallel_loop3A_227], %parallel_loop3A_109 {strides = array<i32>} : memref<48x896xf32, #tpu.memory_space<vmem>>, vector<16xf32>,
          %parallel_loop3A_229 = arith.constant 2 : i32
          %parallel_loop3A_230 = arith.addi %mul3A_61, %parallel_loop3A_229 : i32
          %parallel_loop3A_231 = arith.index_cast %parallel_loop3A_230 : i32 to index
          %parallel_loop3A_232 = arith.index_cast %parallel_loop3A_97 : i32 to index
          %parallel_loop3A_233 = tpu.vector_load %arg6[%parallel_loop3A_231, %parallel_loop3A_232] {strides = array<i32>} : memref<48x896xf32, #tpu.memory_space<vmem>>, vector<16xf32>,
          tpu.vector_store %arg6[%parallel_loop3A_231, %parallel_loop3A_232], %parallel_loop3A_121 {strides = array<i32>} : memref<48x896xf32, #tpu.memory_space<vmem>>, vector<16xf32>,
          %parallel_loop3A_234 = arith.constant 3 : i32
          %parallel_loop3A_235 = arith.addi %mul3A_61, %parallel_loop3A_234 : i32
          %parallel_loop3A_236 = arith.index_cast %parallel_loop3A_235 : i32 to index
          %parallel_loop3A_237 = arith.index_cast %parallel_loop3A_97 : i32 to index
          %parallel_loop3A_238 = tpu.vector_load %arg6[%parallel_loop3A_236, %parallel_loop3A_237] {strides = array<i32>} : memref<48x896xf32, #tpu.memory_space<vmem>>, vector<16xf32>,
          tpu.vector_store %arg6[%parallel_loop3A_236, %parallel_loop3A_237], %parallel_loop3A_121 {strides = array<i32>} : memref<48x896xf32, #tpu.memory_space<vmem>>, vector<16xf32>,
          %parallel_loop3A_239 = arith.constant 4 : i32
          %parallel_loop3A_240 = arith.addi %mul3A_61, %parallel_loop3A_239 : i32
          %parallel_loop3A_241 = arith.index_cast %parallel_loop3A_240 : i32 to index
          %parallel_loop3A_242 = arith.index_cast %parallel_loop3A_97 : i32 to index
          %parallel_loop3A_243 = tpu.vector_load %arg6[%parallel_loop3A_241, %parallel_loop3A_242] {strides = array<i32>} : memref<48x896xf32, #tpu.memory_space<vmem>>, vector<16xf32>,
          tpu.vector_store %arg6[%parallel_loop3A_241, %parallel_loop3A_242], %parallel_loop3A_133 {strides = array<i32>} : memref<48x896xf32, #tpu.memory_space<vmem>>, vector<16xf32>,
          %parallel_loop3A_244 = arith.constant 5 : i32
          %parallel_loop3A_245 = arith.addi %mul3A_61, %parallel_loop3A_244 : i32
          %parallel_loop3A_246 = arith.index_cast %parallel_loop3A_245 : i32 to index
          %parallel_loop3A_247 = arith.index_cast %parallel_loop3A_97 : i32 to index
          %parallel_loop3A_248 = tpu.vector_load %arg6[%parallel_loop3A_246, %parallel_loop3A_247] {strides = array<i32>} : memref<48x896xf32, #tpu.memory_space<vmem>>, vector<16xf32>,
          tpu.vector_store %arg6[%parallel_loop3A_246, %parallel_loop3A_247], %parallel_loop3A_133 {strides = array<i32>} : memref<48x896xf32, #tpu.memory_space<vmem>>, vector<16xf32>,
          %parallel_loop3A_249 = arith.constant 6 : i32
          %parallel_loop3A_250 = arith.addi %mul3A_61, %parallel_loop3A_249 : i32
          %parallel_loop3A_251 = arith.index_cast %parallel_loop3A_250 : i32 to index
          %parallel_loop3A_252 = arith.index_cast %parallel_loop3A_97 : i32 to index
          %parallel_loop3A_253 = tpu.vector_load %arg6[%parallel_loop3A_251, %parallel_loop3A_252] {strides = array<i32>} : memref<48x896xf32, #tpu.memory_space<vmem>>, vector<16xf32>,
          tpu.vector_store %arg6[%parallel_loop3A_251, %parallel_loop3A_252], %parallel_loop3A_145 {strides = array<i32>} : memref<48x896xf32, #tpu.memory_space<vmem>>, vector<16xf32>,
          %parallel_loop3A_254 = arith.constant 7 : i32
          %parallel_loop3A_255 = arith.addi %mul3A_61, %parallel_loop3A_254 : i32
          %parallel_loop3A_256 = arith.index_cast %parallel_loop3A_255 : i32 to index
          %parallel_loop3A_257 = arith.index_cast %parallel_loop3A_97 : i32 to index
          %parallel_loop3A_258 = tpu.vector_load %arg6[%parallel_loop3A_256, %parallel_loop3A_257] {strides = array<i32>} : memref<48x896xf32, #tpu.memory_space<vmem>>, vector<16xf32>,
          tpu.vector_store %arg6[%parallel_loop3A_256, %parallel_loop3A_257], %parallel_loop3A_145 {strides = array<i32>} : memref<48x896xf32, #tpu.memory_space<vmem>>, vector<16xf32>,
          %parallel_loop3A_259 = arith.constant 8 : i32
          %parallel_loop3A_260 = arith.addi %mul3A_61, %parallel_loop3A_259 : i32
          %parallel_loop3A_261 = arith.index_cast %parallel_loop3A_260 : i32 to index
          %parallel_loop3A_262 = arith.index_cast %parallel_loop3A_97 : i32 to index
          %parallel_loop3A_263 = tpu.vector_load %arg6[%parallel_loop3A_261, %parallel_loop3A_262] {strides = array<i32>} : memref<48x896xf32, #tpu.memory_space<vmem>>, vector<16xf32>,
          tpu.vector_store %arg6[%parallel_loop3A_261, %parallel_loop3A_262], %parallel_loop3A_157 {strides = array<i32>} : memref<48x896xf32, #tpu.memory_space<vmem>>, vector<16xf32>,
          %parallel_loop3A_264 = arith.constant 9 : i32
          %parallel_loop3A_265 = arith.addi %mul3A_61, %parallel_loop3A_264 : i32
          %parallel_loop3A_266 = arith.index_cast %parallel_loop3A_265 : i32 to index
          %parallel_loop3A_267 = arith.index_cast %parallel_loop3A_97 : i32 to index
          %parallel_loop3A_268 = tpu.vector_load %arg6[%parallel_loop3A_266, %parallel_loop3A_267] {strides = array<i32>} : memref<48x896xf32, #tpu.memory_space<vmem>>, vector<16xf32>,
          tpu.vector_store %arg6[%parallel_loop3A_266, %parallel_loop3A_267], %parallel_loop3A_157 {strides = array<i32>} : memref<48x896xf32, #tpu.memory_space<vmem>>, vector<16xf32>,
          %parallel_loop3A_269 = arith.constant 10 : i32
          %parallel_loop3A_270 = arith.addi %mul3A_61, %parallel_loop3A_269 : i32
          %parallel_loop3A_271 = arith.index_cast %parallel_loop3A_270 : i32 to index
          %parallel_loop3A_272 = arith.index_cast %parallel_loop3A_97 : i32 to index
          %parallel_loop3A_273 = tpu.vector_load %arg6[%parallel_loop3A_271, %parallel_loop3A_272] {strides = array<i32>} : memref<48x896xf32, #tpu.memory_space<vmem>>, vector<16xf32>,
          tpu.vector_store %arg6[%parallel_loop3A_271, %parallel_loop3A_272], %parallel_loop3A_169 {strides = array<i32>} : memref<48x896xf32, #tpu.memory_space<vmem>>, vector<16xf32>,
          %parallel_loop3A_274 = arith.constant 11 : i32
          %parallel_loop3A_275 = arith.addi %mul3A_61, %parallel_loop3A_274 : i32
          %parallel_loop3A_276 = arith.index_cast %parallel_loop3A_275 : i32 to index
          %parallel_loop3A_277 = arith.index_cast %parallel_loop3A_97 : i32 to index
          %parallel_loop3A_278 = tpu.vector_load %arg6[%parallel_loop3A_276, %parallel_loop3A_277] {strides = array<i32>} : memref<48x896xf32, #tpu.memory_space<vmem>>, vector<16xf32>,
          tpu.vector_store %arg6[%parallel_loop3A_276, %parallel_loop3A_277], %parallel_loop3A_169 {strides = array<i32>} : memref<48x896xf32, #tpu.memory_space<vmem>>, vector<16xf32>,
          %parallel_loop3A_279 = arith.constant 12 : i32
          %parallel_loop3A_280 = arith.addi %mul3A_61, %parallel_loop3A_279 : i32
          %parallel_loop3A_281 = arith.index_cast %parallel_loop3A_280 : i32 to index
          %parallel_loop3A_282 = arith.index_cast %parallel_loop3A_97 : i32 to index
          %parallel_loop3A_283 = tpu.vector_load %arg6[%parallel_loop3A_281, %parallel_loop3A_282] {strides = array<i32>} : memref<48x896xf32, #tpu.memory_space<vmem>>, vector<16xf32>,
          tpu.vector_store %arg6[%parallel_loop3A_281, %parallel_loop3A_282], %parallel_loop3A_109 {strides = array<i32>} : memref<48x896xf32, #tpu.memory_space<vmem>>, vector<16xf32>,
          %parallel_loop3A_284 = arith.constant 13 : i32
          %parallel_loop3A_285 = arith.addi %mul3A_61, %parallel_loop3A_284 : i32
          %parallel_loop3A_286 = arith.index_cast %parallel_loop3A_285 : i32 to index
          %parallel_loop3A_287 = arith.index_cast %parallel_loop3A_97 : i32 to index
          %parallel_loop3A_288 = tpu.vector_load %arg6[%parallel_loop3A_286, %parallel_loop3A_287] {strides = array<i32>} : memref<48x896xf32, #tpu.memory_space<vmem>>, vector<16xf32>,
          tpu.vector_store %arg6[%parallel_loop3A_286, %parallel_loop3A_287], %parallel_loop3A_109 {strides = array<i32>} : memref<48x896xf32, #tpu.memory_space<vmem>>, vector<16xf32>,
          %parallel_loop3A_289 = arith.constant 14 : i32
          %parallel_loop3A_290 = arith.addi %mul3A_61, %parallel_loop3A_289 : i32
          %parallel_loop3A_291 = arith.index_cast %parallel_loop3A_290 : i32 to index
          %parallel_loop3A_292 = arith.index_cast %parallel_loop3A_97 : i32 to index
          %parallel_loop3A_293 = tpu.vector_load %arg6[%parallel_loop3A_291, %parallel_loop3A_292] {strides = array<i32>} : memref<48x896xf32, #tpu.memory_space<vmem>>, vector<16xf32>,
          tpu.vector_store %arg6[%parallel_loop3A_291, %parallel_loop3A_292], %parallel_loop3A_121 {strides = array<i32>} : memref<48x896xf32, #tpu.memory_space<vmem>>, vector<16xf32>,
          %parallel_loop3A_294 = arith.constant 15 : i32
          %parallel_loop3A_295 = arith.addi %mul3A_61, %parallel_loop3A_294 : i32
          %parallel_loop3A_296 = arith.index_cast %parallel_loop3A_295 : i32 to index
          %parallel_loop3A_297 = arith.index_cast %parallel_loop3A_97 : i32 to index
          %parallel_loop3A_298 = tpu.vector_load %arg6[%parallel_loop3A_296, %parallel_loop3A_297] {strides = array<i32>} : memref<48x896xf32, #tpu.memory_space<vmem>>, vector<16xf32>,
          tpu.vector_store %arg6[%parallel_loop3A_296, %parallel_loop3A_297], %parallel_loop3A_121 {strides = array<i32>} : memref<48x896xf32, #tpu.memory_space<vmem>>, vector<16xf32>,
          %parallel_loop3A_299 = arith.constant 16 : i32
          %parallel_loop3A_300 = arith.addi %mul3A_61, %parallel_loop3A_299 : i32
          %parallel_loop3A_301 = arith.index_cast %parallel_loop3A_300 : i32 to index
          %parallel_loop3A_302 = arith.index_cast %parallel_loop3A_97 : i32 to index
          %parallel_loop3A_303 = tpu.vector_load %arg6[%parallel_loop3A_301, %parallel_loop3A_302] {strides = array<i32>} : memref<48x896xf32, #tpu.memory_space<vmem>>, vector<16xf32>,
          tpu.vector_store %arg6[%parallel_loop3A_301, %parallel_loop3A_302], %parallel_loop3A_133 {strides = array<i32>} : memref<48x896xf32, #tpu.memory_space<vmem>>, vector<16xf32>,
          %parallel_loop3A_304 = arith.constant 17 : i32
          %parallel_loop3A_305 = arith.addi %mul3A_61, %parallel_loop3A_304 : i32
          %parallel_loop3A_306 = arith.index_cast %parallel_loop3A_305 : i32 to index
          %parallel_loop3A_307 = arith.index_cast %parallel_loop3A_97 : i32 to index
          %parallel_loop3A_308 = tpu.vector_load %arg6[%parallel_loop3A_306, %parallel_loop3A_307] {strides = array<i32>} : memref<48x896xf32, #tpu.memory_space<vmem>>, vector<16xf32>,
          tpu.vector_store %arg6[%parallel_loop3A_306, %parallel_loop3A_307], %parallel_loop3A_133 {strides = array<i32>} : memref<48x896xf32, #tpu.memory_space<vmem>>, vector<16xf32>,
          %parallel_loop3A_309 = arith.constant 18 : i32
          %parallel_loop3A_310 = arith.addi %mul3A_61, %parallel_loop3A_309 : i32
          %parallel_loop3A_311 = arith.index_cast %parallel_loop3A_310 : i32 to index
          %parallel_loop3A_312 = arith.index_cast %parallel_loop3A_97 : i32 to index
          %parallel_loop3A_313 = tpu.vector_load %arg6[%parallel_loop3A_311, %parallel_loop3A_312] {strides = array<i32>} : memref<48x896xf32, #tpu.memory_space<vmem>>, vector<16xf32>,
          tpu.vector_store %arg6[%parallel_loop3A_311, %parallel_loop3A_312], %parallel_loop3A_145 {strides = array<i32>} : memref<48x896xf32, #tpu.memory_space<vmem>>, vector<16xf32>,
          %parallel_loop3A_314 = arith.constant 19 : i32
          %parallel_loop3A_315 = arith.addi %mul3A_61, %parallel_loop3A_314 : i32
          %parallel_loop3A_316 = arith.index_cast %parallel_loop3A_315 : i32 to index
          %parallel_loop3A_317 = arith.index_cast %parallel_loop3A_97 : i32 to index
          %parallel_loop3A_318 = tpu.vector_load %arg6[%parallel_loop3A_316, %parallel_loop3A_317] {strides = array<i32>} : memref<48x896xf32, #tpu.memory_space<vmem>>, vector<16xf32>,
          tpu.vector_store %arg6[%parallel_loop3A_316, %parallel_loop3A_317], %parallel_loop3A_145 {strides = array<i32>} : memref<48x896xf32, #tpu.memory_space<vmem>>, vector<16xf32>,
          %parallel_loop3A_319 = arith.constant 20 : i32
          %parallel_loop3A_320 = arith.addi %mul3A_61, %parallel_loop3A_319 : i32
          %parallel_loop3A_321 = arith.index_cast %parallel_loop3A_320 : i32 to index
          %parallel_loop3A_322 = arith.index_cast %parallel_loop3A_97 : i32 to index
          %parallel_loop3A_323 = tpu.vector_load %arg6[%parallel_loop3A_321, %parallel_loop3A_322] {strides = array<i32>} : memref<48x896xf32, #tpu.memory_space<vmem>>, vector<16xf32>,
          tpu.vector_store %arg6[%parallel_loop3A_321, %parallel_loop3A_322], %parallel_loop3A_157 {strides = array<i32>} : memref<48x896xf32, #tpu.memory_space<vmem>>, vector<16xf32>,
          %parallel_loop3A_324 = arith.constant 21 : i32
          %parallel_loop3A_325 = arith.addi %mul3A_61, %parallel_loop3A_324 : i32
          %parallel_loop3A_326 = arith.index_cast %parallel_loop3A_325 : i32 to index
          %parallel_loop3A_327 = arith.index_cast %parallel_loop3A_97 : i32 to index
          %parallel_loop3A_328 = tpu.vector_load %arg6[%parallel_loop3A_326, %parallel_loop3A_327] {strides = array<i32>} : memref<48x896xf32, #tpu.memory_space<vmem>>, vector<16xf32>,
          tpu.vector_store %arg6[%parallel_loop3A_326, %parallel_loop3A_327], %parallel_loop3A_157 {strides = array<i32>} : memref<48x896xf32, #tpu.memory_space<vmem>>, vector<16xf32>,
          %parallel_loop3A_329 = arith.constant 22 : i32
          %parallel_loop3A_330 = arith.addi %mul3A_61, %parallel_loop3A_329 : i32
          %parallel_loop3A_331 = arith.index_cast %parallel_loop3A_330 : i32 to index
          %parallel_loop3A_332 = arith.index_cast %parallel_loop3A_97 : i32 to index
          %parallel_loop3A_333 = tpu.vector_load %arg6[%parallel_loop3A_331, %parallel_loop3A_332] {strides = array<i32>} : memref<48x896xf32, #tpu.memory_space<vmem>>, vector<16xf32>,
          tpu.vector_store %arg6[%parallel_loop3A_331, %parallel_loop3A_332], %parallel_loop3A_169 {strides = array<i32>} : memref<48x896xf32, #tpu.memory_space<vmem>>, vector<16xf32>,
          %parallel_loop3A_334 = arith.constant 23 : i32
          %parallel_loop3A_335 = arith.addi %mul3A_61, %parallel_loop3A_334 : i32
          %parallel_loop3A_336 = arith.index_cast %parallel_loop3A_335 : i32 to index
          %parallel_loop3A_337 = arith.index_cast %parallel_loop3A_97 : i32 to index
          %parallel_loop3A_338 = tpu.vector_load %arg6[%parallel_loop3A_336, %parallel_loop3A_337] {strides = array<i32>} : memref<48x896xf32, #tpu.memory_space<vmem>>, vector<16xf32>,
          tpu.vector_store %arg6[%parallel_loop3A_336, %parallel_loop3A_337], %parallel_loop3A_169 {strides = array<i32>} : memref<48x896xf32, #tpu.memory_space<vmem>>, vector<16xf32>,
          %parallel_loop3A_339 = arith.addi %mul3A_63, %parallel_loop3A_97 : i32
          %parallel_loop3A_340 = arith.index_cast %parallel_loop3A_339 : i32 to index
          %parallel_loop3A_341 = tpu.vector_load %arg7[%parallel_loop3A_340] {strides = array<i32>} : memref<1792xf32, #tpu.memory_space<vmem>>, vector<16xf32>,
          tpu.vector_store %arg7[%parallel_loop3A_340], %parallel_loop3A_218 {strides = array<i32>} : memref<1792xf32, #tpu.memory_space<vmem>>, vector<16xf32>,
        } {sc.loop_unroll_factor = 2 : i64, sc.parallel_access}
        %ge3A = arith.constant 1 : i32
        %ge3A_66 = arith.cmpi sge, %scan3A_17, %ge3A : i32
        %convert_element_type3A_67 = arith.extui %ge3A_66 : i1 to i32
        %cond3A_68 = arith.constant 0 : i32
        %cond3A_69 = arith.cmpi ne, %convert_element_type3A_67, %cond3A_68 : i32
        scf.if %cond3A_69 {
          %sub3A = arith.constant 1 : i32
          %sub3A_95 = arith.subi %scan3A_17, %sub3A : i32
          %sub3A_96 = arith.constant 1 : i32
          %sub3A_97 = arith.subi %sub3A_96, %rem3A_21 : i32
          %mul3A_98 = arith.constant 32 : i32
          %mul3A_99 = arith.muli %mul3A_98, %sub3A_95 : i32
          %add3A_100 = arith.addi %add3A, %mul3A_99 : i32
          %mul3A_101 = arith.constant 896 : i32
          %mul3A_102 = arith.muli %add3A_100, %mul3A_101 : i32
          %mul3A_103 = arith.constant 24 : i32
          %mul3A_104 = arith.muli %sub3A_97, %mul3A_103 : i32
          %dma_wait3A_105 = arith.constant 0 : i32
          %dma_wait3A_106 = tpu.memref_slice %arg6[%mul3A_104, %dma_wait3A_105] : memref<48x896xf32, #tpu.memory_space<vmem>> -> memref<24x896xf32, #tpu.memory_space<vmem>>
          %dma_wait3A_107 = arith.constant 0 : i32
          %dma_wait3A_108 = tpu.memref_slice %arg3[%dma_wait3A_107, %mul3A_102] : memref<24x1000000xf32, #tpu.memory_space<hbm>> -> memref<24x896xf32, #tpu.memory_space<hbm>>
          %dma_wait3A_109 = arith.constant 0 : i32
          %dma_wait3A_110 = tpu.memref_slice %arg3[%dma_wait3A_109, %mul3A_102] : memref<24x1000000xf32, #tpu.memory_space<hbm>> -> memref<24x896xf32, #tpu.memory_space<hbm>>
          %dma_wait3A_111 = arith.constant 0 : i32
          %dma_wait3A_112 = tpu.memref_slice %arg6[%mul3A_104, %dma_wait3A_111] : memref<48x896xf32, #tpu.memory_space<vmem>> -> memref<24x896xf32, #tpu.memory_space<vmem>>
          tpu.wait_dma2 semaphore(%arg12 : memref<!tpu.dma_semaphore, #tpu.memory_space<semaphore_mem>>) src(%dma_wait3A_112 : memref<24x896xf32, #tpu.memory_space<vmem>>) dst(%dma_wait3A_110 : memref<24x896xf32, #tpu.memory_space<hbm>>)
          %sub3A_113 = arith.constant 1 : i32
          %sub3A_114 = arith.subi %scan3A_17, %sub3A_113 : i32
          %sub3A_115 = arith.constant 1 : i32
          %sub3A_116 = arith.subi %sub3A_115, %rem3A_21 : i32
          %mul3A_117 = arith.constant 32 : i32
          %mul3A_118 = arith.muli %mul3A_117, %sub3A_114 : i32
          %add3A_119 = arith.addi %add3A, %mul3A_118 : i32
          %mul3A_120 = arith.constant 896 : i32
          %mul3A_121 = arith.muli %add3A_119, %mul3A_120 : i32
          %mul3A_122 = arith.constant 896 : i32
          %mul3A_123 = arith.muli %sub3A_116, %mul3A_122 : i32
          %dma_wait3A_124 = tpu.memref_slice %arg7[%mul3A_123] : memref<1792xf32, #tpu.memory_space<vmem>> -> memref<896xf32, #tpu.memory_space<vmem>>
          %dma_wait3A_125 = tpu.memref_slice %arg4[%mul3A_121] : memref<1000000xf32, #tpu.memory_space<hbm>> -> memref<896xf32, #tpu.memory_space<hbm>>
          %dma_wait3A_126 = tpu.memref_slice %arg4[%mul3A_121] : memref<1000000xf32, #tpu.memory_space<hbm>> -> memref<896xf32, #tpu.memory_space<hbm>>
          %dma_wait3A_127 = tpu.memref_slice %arg7[%mul3A_123] : memref<1792xf32, #tpu.memory_space<vmem>> -> memref<896xf32, #tpu.memory_space<vmem>>
          tpu.wait_dma2 semaphore(%arg12 : memref<!tpu.dma_semaphore, #tpu.memory_space<semaphore_mem>>) src(%dma_wait3A_127 : memref<896xf32, #tpu.memory_space<vmem>>) dst(%dma_wait3A_126 : memref<896xf32, #tpu.memory_space<hbm>>)
        } else {
        }
        %mul3A_70 = arith.constant 32 : i32
        %mul3A_71 = arith.muli %mul3A_70, %scan3A_17 : i32
        %add3A_72 = arith.addi %add3A, %mul3A_71 : i32
        %mul3A_73 = arith.constant 896 : i32
        %mul3A_74 = arith.muli %add3A_72, %mul3A_73 : i32
        %mul3A_75 = arith.constant 24 : i32
        %mul3A_76 = arith.muli %rem3A_21, %mul3A_75 : i32
        %dma_start3A = arith.constant 0 : i32
        %dma_start3A_77 = tpu.memref_slice %arg6[%mul3A_76, %dma_start3A] : memref<48x896xf32, #tpu.memory_space<vmem>> -> memref<24x896xf32, #tpu.memory_space<vmem>>
        %dma_start3A_78 = arith.constant 0 : i32
        %dma_start3A_79 = tpu.memref_slice %arg3[%dma_start3A_78, %mul3A_74] : memref<24x1000000xf32, #tpu.memory_space<hbm>> -> memref<24x896xf32, #tpu.memory_space<hbm>>
        %dma_start3A_80 = arith.constant 0 : i32
        %dma_start3A_81 = tpu.memref_slice %arg3[%dma_start3A_80, %mul3A_74] : memref<24x1000000xf32, #tpu.memory_space<hbm>> -> memref<24x896xf32, #tpu.memory_space<hbm>>
        %dma_start3A_82 = arith.constant 0 : i32
        %dma_start3A_83 = tpu.memref_slice %arg6[%mul3A_76, %dma_start3A_82] : memref<48x896xf32, #tpu.memory_space<vmem>> -> memref<24x896xf32, #tpu.memory_space<vmem>>
        tpu.enqueue_dma source(%dma_start3A_83 : memref<24x896xf32, #tpu.memory_space<vmem>>) target(%dma_start3A_81 : memref<24x896xf32, #tpu.memory_space<hbm>>) target_semaphore(%arg12 : memref<!tpu.dma_semaphore, #tpu.memory_space<semaphore_mem>>)
        %mul3A_84 = arith.constant 32 : i32
        %mul3A_85 = arith.muli %mul3A_84, %scan3A_17 : i32
        %add3A_86 = arith.addi %add3A, %mul3A_85 : i32
        %mul3A_87 = arith.constant 896 : i32
        %mul3A_88 = arith.muli %add3A_86, %mul3A_87 : i32
        %mul3A_89 = arith.constant 896 : i32
        %mul3A_90 = arith.muli %rem3A_21, %mul3A_89 : i32
        %dma_start3A_91 = tpu.memref_slice %arg7[%mul3A_90] : memref<1792xf32, #tpu.memory_space<vmem>> -> memref<896xf32, #tpu.memory_space<vmem>>
        %dma_start3A_92 = tpu.memref_slice %arg4[%mul3A_88] : memref<1000000xf32, #tpu.memory_space<hbm>> -> memref<896xf32, #tpu.memory_space<hbm>>
        %dma_start3A_93 = tpu.memref_slice %arg4[%mul3A_88] : memref<1000000xf32, #tpu.memory_space<hbm>> -> memref<896xf32, #tpu.memory_space<hbm>>
        %dma_start3A_94 = tpu.memref_slice %arg7[%mul3A_90] : memref<1792xf32, #tpu.memory_space<vmem>> -> memref<896xf32, #tpu.memory_space<vmem>>
        tpu.enqueue_dma source(%dma_start3A_94 : memref<896xf32, #tpu.memory_space<vmem>>) target(%dma_start3A_93 : memref<896xf32, #tpu.memory_space<hbm>>) target_semaphore(%arg12 : memref<!tpu.dma_semaphore, #tpu.memory_space<semaphore_mem>>)
      } else {
      }
      %eq3A_29 = arith.constant 1116 : i32
      %eq3A_30 = arith.cmpi eq, %add3A_20, %eq3A_29 : i32
      %convert_element_type3A_31 = arith.extui %eq3A_30 : i1 to i32
      %cond3A_32 = arith.constant 0 : i32
      %cond3A_33 = arith.cmpi ne, %convert_element_type3A_31, %cond3A_32 : i32
      scf.if %cond3A_33 {
        %dma_wait3A = arith.constant 0 : i32
        %dma_wait3A_34 = arith.constant 999936 : i32
        %dma_wait3A_35 = tpu.memref_slice %arg2[%dma_wait3A, %dma_wait3A_34] : memref<32x1000000xf32, #tpu.memory_space<hbm>> -> memref<32x64xf32, #tpu.memory_space<hbm>>
        %dma_wait3A_36 = arith.constant 0 : i32
        %dma_wait3A_37 = arith.constant 999936 : i32
        %dma_wait3A_38 = tpu.memref_slice %arg2[%dma_wait3A_36, %dma_wait3A_37] : memref<32x1000000xf32, #tpu.memory_space<hbm>> -> memref<32x64xf32, #tpu.memory_space<hbm>>
        tpu.wait_dma2 semaphore(%arg11 : memref<!tpu.dma_semaphore, #tpu.memory_space<semaphore_mem>>) src(%dma_wait3A_38 : memref<32x64xf32, #tpu.memory_space<hbm>>) dst(%arg8 : memref<32x64xf32, #tpu.memory_space<vmem>>)
        %parallel_loop3A = arith.constant 0 : i32
        %parallel_loop3A_39 = arith.constant 4 : i32
        %parallel_loop3A_40 = arith.constant 1 : i32
        scf.for %parallel_loop3A_54 = %parallel_loop3A to %parallel_loop3A_39 step %parallel_loop3A_40  : i32 {
          %parallel_loop3A_55 = arith.constant 16 : i32
          %parallel_loop3A_56 = arith.muli %parallel_loop3A_54, %parallel_loop3A_55 : i32
          %parallel_loop3A_57 = arith.constant 4 : i32
          %parallel_loop3A_58 = arith.index_cast %parallel_loop3A_57 : i32 to index
          %parallel_loop3A_59 = arith.index_cast %parallel_loop3A_56 : i32 to index
          %parallel_loop3A_60 = tpu.vector_load %arg8[%parallel_loop3A_58, %parallel_loop3A_59] {strides = array<i32>} : memref<32x64xf32, #tpu.memory_space<vmem>>, vector<16xf32>,
          %parallel_loop3A_61 = arith.constant 12 : i32
          %parallel_loop3A_62 = arith.index_cast %parallel_loop3A_61 : i32 to index
          %parallel_loop3A_63 = arith.index_cast %parallel_loop3A_56 : i32 to index
          %parallel_loop3A_64 = tpu.vector_load %arg8[%parallel_loop3A_62, %parallel_loop3A_63] {strides = array<i32>} : memref<32x64xf32, #tpu.memory_space<vmem>>, vector<16xf32>,
          %parallel_loop3A_65 = arith.subf %parallel_loop3A_60, %parallel_loop3A_64 : vector<16xf32>
          %parallel_loop3A_66 = math.absf %parallel_loop3A_65 : vector<16xf32>
          %parallel_loop3A_67 = arith.constant 5 : i32
          %parallel_loop3A_68 = arith.index_cast %parallel_loop3A_67 : i32 to index
          %parallel_loop3A_69 = arith.index_cast %parallel_loop3A_56 : i32 to index
          %parallel_loop3A_70 = tpu.vector_load %arg8[%parallel_loop3A_68, %parallel_loop3A_69] {strides = array<i32>} : memref<32x64xf32, #tpu.memory_space<vmem>>, vector<16xf32>,
          %parallel_loop3A_71 = arith.constant 13 : i32
          %parallel_loop3A_72 = arith.index_cast %parallel_loop3A_71 : i32 to index
          %parallel_loop3A_73 = arith.index_cast %parallel_loop3A_56 : i32 to index
          %parallel_loop3A_74 = tpu.vector_load %arg8[%parallel_loop3A_72, %parallel_loop3A_73] {strides = array<i32>} : memref<32x64xf32, #tpu.memory_space<vmem>>, vector<16xf32>,
          %parallel_loop3A_75 = arith.subf %parallel_loop3A_70, %parallel_loop3A_74 : vector<16xf32>
          %parallel_loop3A_76 = math.absf %parallel_loop3A_75 : vector<16xf32>
          %parallel_loop3A_77 = arith.constant 4 : i32
          %parallel_loop3A_78 = arith.index_cast %parallel_loop3A_77 : i32 to index
          %parallel_loop3A_79 = arith.index_cast %parallel_loop3A_56 : i32 to index
          %parallel_loop3A_80 = tpu.vector_load %arg8[%parallel_loop3A_78, %parallel_loop3A_79] {strides = array<i32>} : memref<32x64xf32, #tpu.memory_space<vmem>>, vector<16xf32>,
          %parallel_loop3A_81 = arith.constant 20 : i32
          %parallel_loop3A_82 = arith.index_cast %parallel_loop3A_81 : i32 to index
          %parallel_loop3A_83 = arith.index_cast %parallel_loop3A_56 : i32 to index
          %parallel_loop3A_84 = tpu.vector_load %arg8[%parallel_loop3A_82, %parallel_loop3A_83] {strides = array<i32>} : memref<32x64xf32, #tpu.memory_space<vmem>>, vector<16xf32>,
          %parallel_loop3A_85 = arith.subf %parallel_loop3A_80, %parallel_loop3A_84 : vector<16xf32>
          %parallel_loop3A_86 = math.absf %parallel_loop3A_85 : vector<16xf32>
          %parallel_loop3A_87 = arith.constant 5 : i32
          %parallel_loop3A_88 = arith.index_cast %parallel_loop3A_87 : i32 to index
          %parallel_loop3A_89 = arith.index_cast %parallel_loop3A_56 : i32 to index
          %parallel_loop3A_90 = tpu.vector_load %arg8[%parallel_loop3A_88, %parallel_loop3A_89] {strides = array<i32>} : memref<32x64xf32, #tpu.memory_space<vmem>>, vector<16xf32>,
          %parallel_loop3A_91 = arith.constant 21 : i32
          %parallel_loop3A_92 = arith.index_cast %parallel_loop3A_91 : i32 to index
          %parallel_loop3A_93 = arith.index_cast %parallel_loop3A_56 : i32 to index
          %parallel_loop3A_94 = tpu.vector_load %arg8[%parallel_loop3A_92, %parallel_loop3A_93] {strides = array<i32>} : memref<32x64xf32, #tpu.memory_space<vmem>>, vector<16xf32>,
          %parallel_loop3A_95 = arith.subf %parallel_loop3A_90, %parallel_loop3A_94 : vector<16xf32>
          %parallel_loop3A_96 = math.absf %parallel_loop3A_95 : vector<16xf32>
          %parallel_loop3A_97 = arith.constant 4 : i32
          %parallel_loop3A_98 = arith.index_cast %parallel_loop3A_97 : i32 to index
          %parallel_loop3A_99 = arith.index_cast %parallel_loop3A_56 : i32 to index
          %parallel_loop3A_100 = tpu.vector_load %arg8[%parallel_loop3A_98, %parallel_loop3A_99] {strides = array<i32>} : memref<32x64xf32, #tpu.memory_space<vmem>>, vector<16xf32>,
          %parallel_loop3A_101 = arith.constant 28 : i32
          %parallel_loop3A_102 = arith.index_cast %parallel_loop3A_101 : i32 to index
          %parallel_loop3A_103 = arith.index_cast %parallel_loop3A_56 : i32 to index
          %parallel_loop3A_104 = tpu.vector_load %arg8[%parallel_loop3A_102, %parallel_loop3A_103] {strides = array<i32>} : memref<32x64xf32, #tpu.memory_space<vmem>>, vector<16xf32>,
          %parallel_loop3A_105 = arith.subf %parallel_loop3A_100, %parallel_loop3A_104 : vector<16xf32>
          %parallel_loop3A_106 = math.absf %parallel_loop3A_105 : vector<16xf32>
          %parallel_loop3A_107 = arith.constant 5 : i32
          %parallel_loop3A_108 = arith.index_cast %parallel_loop3A_107 : i32 to index
          %parallel_loop3A_109 = arith.index_cast %parallel_loop3A_56 : i32 to index
          %parallel_loop3A_110 = tpu.vector_load %arg8[%parallel_loop3A_108, %parallel_loop3A_109] {strides = array<i32>} : memref<32x64xf32, #tpu.memory_space<vmem>>, vector<16xf32>,
          %parallel_loop3A_111 = arith.constant 29 : i32
          %parallel_loop3A_112 = arith.index_cast %parallel_loop3A_111 : i32 to index
          %parallel_loop3A_113 = arith.index_cast %parallel_loop3A_56 : i32 to index
          %parallel_loop3A_114 = tpu.vector_load %arg8[%parallel_loop3A_112, %parallel_loop3A_113] {strides = array<i32>} : memref<32x64xf32, #tpu.memory_space<vmem>>, vector<16xf32>,
          %parallel_loop3A_115 = arith.subf %parallel_loop3A_110, %parallel_loop3A_114 : vector<16xf32>
          %parallel_loop3A_116 = math.absf %parallel_loop3A_115 : vector<16xf32>
          %parallel_loop3A_117 = arith.constant 0 : i32
          %parallel_loop3A_118 = arith.index_cast %parallel_loop3A_117 : i32 to index
          %parallel_loop3A_119 = arith.index_cast %parallel_loop3A_56 : i32 to index
          %parallel_loop3A_120 = tpu.vector_load %arg8[%parallel_loop3A_118, %parallel_loop3A_119] {strides = array<i32>} : memref<32x64xf32, #tpu.memory_space<vmem>>, vector<16xf32>,
          %parallel_loop3A_121 = arith.constant 8.000000e-01 : f32
          %parallel_loop3A_122 = vector.broadcast %parallel_loop3A_121 : f32 to vector<16xf32>
          %parallel_loop3A_123 = arith.cmpf ogt, %parallel_loop3A_120, %parallel_loop3A_122 : vector<16xf32>
          %parallel_loop3A_124 = arith.constant 9 : i32
          %parallel_loop3A_125 = arith.index_cast %parallel_loop3A_124 : i32 to index
          %parallel_loop3A_126 = arith.index_cast %parallel_loop3A_56 : i32 to index
          %parallel_loop3A_127 = tpu.vector_load %arg8[%parallel_loop3A_125, %parallel_loop3A_126] {strides = array<i32>} : memref<32x64xf32, #tpu.memory_space<vmem>>, vector<16xf32>,
          %parallel_loop3A_128 = arith.constant 8.000000e-01 : f32
          %parallel_loop3A_129 = vector.broadcast %parallel_loop3A_128 : f32 to vector<16xf32>
          %parallel_loop3A_130 = arith.cmpf ogt, %parallel_loop3A_127, %parallel_loop3A_129 : vector<16xf32>
          %parallel_loop3A_131 = arith.andi %parallel_loop3A_123, %parallel_loop3A_130 : vector<16xi1>
          %parallel_loop3A_132 = arith.constant 17 : i32
          %parallel_loop3A_133 = arith.index_cast %parallel_loop3A_132 : i32 to index
          %parallel_loop3A_134 = arith.index_cast %parallel_loop3A_56 : i32 to index
          %parallel_loop3A_135 = tpu.vector_load %arg8[%parallel_loop3A_133, %parallel_loop3A_134] {strides = array<i32>} : memref<32x64xf32, #tpu.memory_space<vmem>>, vector<16xf32>,
          %parallel_loop3A_136 = arith.constant 8.000000e-01 : f32
          %parallel_loop3A_137 = vector.broadcast %parallel_loop3A_136 : f32 to vector<16xf32>
          %parallel_loop3A_138 = arith.cmpf ogt, %parallel_loop3A_135, %parallel_loop3A_137 : vector<16xf32>
          %parallel_loop3A_139 = arith.andi %parallel_loop3A_131, %parallel_loop3A_138 : vector<16xi1>
          %parallel_loop3A_140 = arith.constant 25 : i32
          %parallel_loop3A_141 = arith.index_cast %parallel_loop3A_140 : i32 to index
          %parallel_loop3A_142 = arith.index_cast %parallel_loop3A_56 : i32 to index
          %parallel_loop3A_143 = tpu.vector_load %arg8[%parallel_loop3A_141, %parallel_loop3A_142] {strides = array<i32>} : memref<32x64xf32, #tpu.memory_space<vmem>>, vector<16xf32>,
          %parallel_loop3A_144 = arith.constant 8.000000e-01 : f32
          %parallel_loop3A_145 = vector.broadcast %parallel_loop3A_144 : f32 to vector<16xf32>
          %parallel_loop3A_146 = arith.cmpf ogt, %parallel_loop3A_143, %parallel_loop3A_145 : vector<16xf32>
          %parallel_loop3A_147 = arith.andi %parallel_loop3A_139, %parallel_loop3A_146 : vector<16xi1>
          %parallel_loop3A_148 = arith.minimumf %parallel_loop3A_66, %parallel_loop3A_76 : vector<16xf32>
          %parallel_loop3A_149 = arith.minimumf %parallel_loop3A_86, %parallel_loop3A_96 : vector<16xf32>
          %parallel_loop3A_150 = arith.minimumf %parallel_loop3A_148, %parallel_loop3A_149 : vector<16xf32>
          %parallel_loop3A_151 = arith.minimumf %parallel_loop3A_106, %parallel_loop3A_116 : vector<16xf32>
          %parallel_loop3A_152 = arith.minimumf %parallel_loop3A_150, %parallel_loop3A_151 : vector<16xf32>
          %parallel_loop3A_153 = arith.constant 1.000000e+00 : f32
          %parallel_loop3A_154 = vector.broadcast %parallel_loop3A_153 : f32 to vector<16xf32>
          %parallel_loop3A_155 = arith.cmpf olt, %parallel_loop3A_152, %parallel_loop3A_154 : vector<16xf32>
          %parallel_loop3A_156 = arith.andi %parallel_loop3A_147, %parallel_loop3A_155 : vector<16xi1>
          %parallel_loop3A_157 = arith.constant 1.000000e+00 : f32
          %parallel_loop3A_158 = arith.constant 0.000000e+00 : f32
          %parallel_loop3A_159 = vector.broadcast %parallel_loop3A_157 : f32 to vector<16xf32>
          %parallel_loop3A_160 = vector.broadcast %parallel_loop3A_158 : f32 to vector<16xf32>
          %parallel_loop3A_161 = arith.select %parallel_loop3A_156, %parallel_loop3A_159, %parallel_loop3A_160 : vector<16xi1>, vector<16xf32>
          %parallel_loop3A_162 = arith.constant 0 : i32
          %parallel_loop3A_163 = arith.index_cast %parallel_loop3A_162 : i32 to index
          %parallel_loop3A_164 = arith.index_cast %parallel_loop3A_56 : i32 to index
          %parallel_loop3A_165 = tpu.vector_load %arg9[%parallel_loop3A_163, %parallel_loop3A_164] {strides = array<i32>} : memref<24x64xf32, #tpu.memory_space<vmem>>, vector<16xf32>,
          tpu.vector_store %arg9[%parallel_loop3A_163, %parallel_loop3A_164], %parallel_loop3A_66 {strides = array<i32>} : memref<24x64xf32, #tpu.memory_space<vmem>>, vector<16xf32>,
          %parallel_loop3A_166 = arith.constant 1 : i32
          %parallel_loop3A_167 = arith.index_cast %parallel_loop3A_166 : i32 to index
          %parallel_loop3A_168 = arith.index_cast %parallel_loop3A_56 : i32 to index
          %parallel_loop3A_169 = tpu.vector_load %arg9[%parallel_loop3A_167, %parallel_loop3A_168] {strides = array<i32>} : memref<24x64xf32, #tpu.memory_space<vmem>>, vector<16xf32>,
          tpu.vector_store %arg9[%parallel_loop3A_167, %parallel_loop3A_168], %parallel_loop3A_66 {strides = array<i32>} : memref<24x64xf32, #tpu.memory_space<vmem>>, vector<16xf32>,
          %parallel_loop3A_170 = arith.constant 2 : i32
          %parallel_loop3A_171 = arith.index_cast %parallel_loop3A_170 : i32 to index
          %parallel_loop3A_172 = arith.index_cast %parallel_loop3A_56 : i32 to index
          %parallel_loop3A_173 = tpu.vector_load %arg9[%parallel_loop3A_171, %parallel_loop3A_172] {strides = array<i32>} : memref<24x64xf32, #tpu.memory_space<vmem>>, vector<16xf32>,
          tpu.vector_store %arg9[%parallel_loop3A_171, %parallel_loop3A_172], %parallel_loop3A_76 {strides = array<i32>} : memref<24x64xf32, #tpu.memory_space<vmem>>, vector<16xf32>,
          %parallel_loop3A_174 = arith.constant 3 : i32
          %parallel_loop3A_175 = arith.index_cast %parallel_loop3A_174 : i32 to index
          %parallel_loop3A_176 = arith.index_cast %parallel_loop3A_56 : i32 to index
          %parallel_loop3A_177 = tpu.vector_load %arg9[%parallel_loop3A_175, %parallel_loop3A_176] {strides = array<i32>} : memref<24x64xf32, #tpu.memory_space<vmem>>, vector<16xf32>,
          tpu.vector_store %arg9[%parallel_loop3A_175, %parallel_loop3A_176], %parallel_loop3A_76 {strides = array<i32>} : memref<24x64xf32, #tpu.memory_space<vmem>>, vector<16xf32>,
          %parallel_loop3A_178 = arith.constant 4 : i32
          %parallel_loop3A_179 = arith.index_cast %parallel_loop3A_178 : i32 to index
          %parallel_loop3A_180 = arith.index_cast %parallel_loop3A_56 : i32 to index
          %parallel_loop3A_181 = tpu.vector_load %arg9[%parallel_loop3A_179, %parallel_loop3A_180] {strides = array<i32>} : memref<24x64xf32, #tpu.memory_space<vmem>>, vector<16xf32>,
          tpu.vector_store %arg9[%parallel_loop3A_179, %parallel_loop3A_180], %parallel_loop3A_86 {strides = array<i32>} : memref<24x64xf32, #tpu.memory_space<vmem>>, vector<16xf32>,
          %parallel_loop3A_182 = arith.constant 5 : i32
          %parallel_loop3A_183 = arith.index_cast %parallel_loop3A_182 : i32 to index
          %parallel_loop3A_184 = arith.index_cast %parallel_loop3A_56 : i32 to index
          %parallel_loop3A_185 = tpu.vector_load %arg9[%parallel_loop3A_183, %parallel_loop3A_184] {strides = array<i32>} : memref<24x64xf32, #tpu.memory_space<vmem>>, vector<16xf32>,
          tpu.vector_store %arg9[%parallel_loop3A_183, %parallel_loop3A_184], %parallel_loop3A_86 {strides = array<i32>} : memref<24x64xf32, #tpu.memory_space<vmem>>, vector<16xf32>,
          %parallel_loop3A_186 = arith.constant 6 : i32
          %parallel_loop3A_187 = arith.index_cast %parallel_loop3A_186 : i32 to index
          %parallel_loop3A_188 = arith.index_cast %parallel_loop3A_56 : i32 to index
          %parallel_loop3A_189 = tpu.vector_load %arg9[%parallel_loop3A_187, %parallel_loop3A_188] {strides = array<i32>} : memref<24x64xf32, #tpu.memory_space<vmem>>, vector<16xf32>,
          tpu.vector_store %arg9[%parallel_loop3A_187, %parallel_loop3A_188], %parallel_loop3A_96 {strides = array<i32>} : memref<24x64xf32, #tpu.memory_space<vmem>>, vector<16xf32>,
          %parallel_loop3A_190 = arith.constant 7 : i32
          %parallel_loop3A_191 = arith.index_cast %parallel_loop3A_190 : i32 to index
          %parallel_loop3A_192 = arith.index_cast %parallel_loop3A_56 : i32 to index
          %parallel_loop3A_193 = tpu.vector_load %arg9[%parallel_loop3A_191, %parallel_loop3A_192] {strides = array<i32>} : memref<24x64xf32, #tpu.memory_space<vmem>>, vector<16xf32>,
          tpu.vector_store %arg9[%parallel_loop3A_191, %parallel_loop3A_192], %parallel_loop3A_96 {strides = array<i32>} : memref<24x64xf32, #tpu.memory_space<vmem>>, vector<16xf32>,
          %parallel_loop3A_194 = arith.constant 8 : i32
          %parallel_loop3A_195 = arith.index_cast %parallel_loop3A_194 : i32 to index
          %parallel_loop3A_196 = arith.index_cast %parallel_loop3A_56 : i32 to index
          %parallel_loop3A_197 = tpu.vector_load %arg9[%parallel_loop3A_195, %parallel_loop3A_196] {strides = array<i32>} : memref<24x64xf32, #tpu.memory_space<vmem>>, vector<16xf32>,
          tpu.vector_store %arg9[%parallel_loop3A_195, %parallel_loop3A_196], %parallel_loop3A_106 {strides = array<i32>} : memref<24x64xf32, #tpu.memory_space<vmem>>, vector<16xf32>,
          %parallel_loop3A_198 = arith.constant 9 : i32
          %parallel_loop3A_199 = arith.index_cast %parallel_loop3A_198 : i32 to index
          %parallel_loop3A_200 = arith.index_cast %parallel_loop3A_56 : i32 to index
          %parallel_loop3A_201 = tpu.vector_load %arg9[%parallel_loop3A_199, %parallel_loop3A_200] {strides = array<i32>} : memref<24x64xf32, #tpu.memory_space<vmem>>, vector<16xf32>,
          tpu.vector_store %arg9[%parallel_loop3A_199, %parallel_loop3A_200], %parallel_loop3A_106 {strides = array<i32>} : memref<24x64xf32, #tpu.memory_space<vmem>>, vector<16xf32>,
          %parallel_loop3A_202 = arith.constant 10 : i32
          %parallel_loop3A_203 = arith.index_cast %parallel_loop3A_202 : i32 to index
          %parallel_loop3A_204 = arith.index_cast %parallel_loop3A_56 : i32 to index
          %parallel_loop3A_205 = tpu.vector_load %arg9[%parallel_loop3A_203, %parallel_loop3A_204] {strides = array<i32>} : memref<24x64xf32, #tpu.memory_space<vmem>>, vector<16xf32>,
          tpu.vector_store %arg9[%parallel_loop3A_203, %parallel_loop3A_204], %parallel_loop3A_116 {strides = array<i32>} : memref<24x64xf32, #tpu.memory_space<vmem>>, vector<16xf32>,
          %parallel_loop3A_206 = arith.constant 11 : i32
          %parallel_loop3A_207 = arith.index_cast %parallel_loop3A_206 : i32 to index
          %parallel_loop3A_208 = arith.index_cast %parallel_loop3A_56 : i32 to index
          %parallel_loop3A_209 = tpu.vector_load %arg9[%parallel_loop3A_207, %parallel_loop3A_208] {strides = array<i32>} : memref<24x64xf32, #tpu.memory_space<vmem>>, vector<16xf32>,
          tpu.vector_store %arg9[%parallel_loop3A_207, %parallel_loop3A_208], %parallel_loop3A_116 {strides = array<i32>} : memref<24x64xf32, #tpu.memory_space<vmem>>, vector<16xf32>,
          %parallel_loop3A_210 = arith.constant 12 : i32
          %parallel_loop3A_211 = arith.index_cast %parallel_loop3A_210 : i32 to index
          %parallel_loop3A_212 = arith.index_cast %parallel_loop3A_56 : i32 to index
          %parallel_loop3A_213 = tpu.vector_load %arg9[%parallel_loop3A_211, %parallel_loop3A_212] {strides = array<i32>} : memref<24x64xf32, #tpu.memory_space<vmem>>, vector<16xf32>,
          tpu.vector_store %arg9[%parallel_loop3A_211, %parallel_loop3A_212], %parallel_loop3A_66 {strides = array<i32>} : memref<24x64xf32, #tpu.memory_space<vmem>>, vector<16xf32>,
          %parallel_loop3A_214 = arith.constant 13 : i32
          %parallel_loop3A_215 = arith.index_cast %parallel_loop3A_214 : i32 to index
          %parallel_loop3A_216 = arith.index_cast %parallel_loop3A_56 : i32 to index
          %parallel_loop3A_217 = tpu.vector_load %arg9[%parallel_loop3A_215, %parallel_loop3A_216] {strides = array<i32>} : memref<24x64xf32, #tpu.memory_space<vmem>>, vector<16xf32>,
          tpu.vector_store %arg9[%parallel_loop3A_215, %parallel_loop3A_216], %parallel_loop3A_66 {strides = array<i32>} : memref<24x64xf32, #tpu.memory_space<vmem>>, vector<16xf32>,
          %parallel_loop3A_218 = arith.constant 14 : i32
          %parallel_loop3A_219 = arith.index_cast %parallel_loop3A_218 : i32 to index
          %parallel_loop3A_220 = arith.index_cast %parallel_loop3A_56 : i32 to index
          %parallel_loop3A_221 = tpu.vector_load %arg9[%parallel_loop3A_219, %parallel_loop3A_220] {strides = array<i32>} : memref<24x64xf32, #tpu.memory_space<vmem>>, vector<16xf32>,
          tpu.vector_store %arg9[%parallel_loop3A_219, %parallel_loop3A_220], %parallel_loop3A_76 {strides = array<i32>} : memref<24x64xf32, #tpu.memory_space<vmem>>, vector<16xf32>,
          %parallel_loop3A_222 = arith.constant 15 : i32
          %parallel_loop3A_223 = arith.index_cast %parallel_loop3A_222 : i32 to index
          %parallel_loop3A_224 = arith.index_cast %parallel_loop3A_56 : i32 to index
          %parallel_loop3A_225 = tpu.vector_load %arg9[%parallel_loop3A_223, %parallel_loop3A_224] {strides = array<i32>} : memref<24x64xf32, #tpu.memory_space<vmem>>, vector<16xf32>,
          tpu.vector_store %arg9[%parallel_loop3A_223, %parallel_loop3A_224], %parallel_loop3A_76 {strides = array<i32>} : memref<24x64xf32, #tpu.memory_space<vmem>>, vector<16xf32>,
          %parallel_loop3A_226 = arith.constant 16 : i32
          %parallel_loop3A_227 = arith.index_cast %parallel_loop3A_226 : i32 to index
          %parallel_loop3A_228 = arith.index_cast %parallel_loop3A_56 : i32 to index
          %parallel_loop3A_229 = tpu.vector_load %arg9[%parallel_loop3A_227, %parallel_loop3A_228] {strides = array<i32>} : memref<24x64xf32, #tpu.memory_space<vmem>>, vector<16xf32>,
          tpu.vector_store %arg9[%parallel_loop3A_227, %parallel_loop3A_228], %parallel_loop3A_86 {strides = array<i32>} : memref<24x64xf32, #tpu.memory_space<vmem>>, vector<16xf32>,
          %parallel_loop3A_230 = arith.constant 17 : i32
          %parallel_loop3A_231 = arith.index_cast %parallel_loop3A_230 : i32 to index
          %parallel_loop3A_232 = arith.index_cast %parallel_loop3A_56 : i32 to index
          %parallel_loop3A_233 = tpu.vector_load %arg9[%parallel_loop3A_231, %parallel_loop3A_232] {strides = array<i32>} : memref<24x64xf32, #tpu.memory_space<vmem>>, vector<16xf32>,
          tpu.vector_store %arg9[%parallel_loop3A_231, %parallel_loop3A_232], %parallel_loop3A_86 {strides = array<i32>} : memref<24x64xf32, #tpu.memory_space<vmem>>, vector<16xf32>,
          %parallel_loop3A_234 = arith.constant 18 : i32
          %parallel_loop3A_235 = arith.index_cast %parallel_loop3A_234 : i32 to index
          %parallel_loop3A_236 = arith.index_cast %parallel_loop3A_56 : i32 to index
          %parallel_loop3A_237 = tpu.vector_load %arg9[%parallel_loop3A_235, %parallel_loop3A_236] {strides = array<i32>} : memref<24x64xf32, #tpu.memory_space<vmem>>, vector<16xf32>,
          tpu.vector_store %arg9[%parallel_loop3A_235, %parallel_loop3A_236], %parallel_loop3A_96 {strides = array<i32>} : memref<24x64xf32, #tpu.memory_space<vmem>>, vector<16xf32>,
          %parallel_loop3A_238 = arith.constant 19 : i32
          %parallel_loop3A_239 = arith.index_cast %parallel_loop3A_238 : i32 to index
          %parallel_loop3A_240 = arith.index_cast %parallel_loop3A_56 : i32 to index
          %parallel_loop3A_241 = tpu.vector_load %arg9[%parallel_loop3A_239, %parallel_loop3A_240] {strides = array<i32>} : memref<24x64xf32, #tpu.memory_space<vmem>>, vector<16xf32>,
          tpu.vector_store %arg9[%parallel_loop3A_239, %parallel_loop3A_240], %parallel_loop3A_96 {strides = array<i32>} : memref<24x64xf32, #tpu.memory_space<vmem>>, vector<16xf32>,
          %parallel_loop3A_242 = arith.constant 20 : i32
          %parallel_loop3A_243 = arith.index_cast %parallel_loop3A_242 : i32 to index
          %parallel_loop3A_244 = arith.index_cast %parallel_loop3A_56 : i32 to index
          %parallel_loop3A_245 = tpu.vector_load %arg9[%parallel_loop3A_243, %parallel_loop3A_244] {strides = array<i32>} : memref<24x64xf32, #tpu.memory_space<vmem>>, vector<16xf32>,
          tpu.vector_store %arg9[%parallel_loop3A_243, %parallel_loop3A_244], %parallel_loop3A_106 {strides = array<i32>} : memref<24x64xf32, #tpu.memory_space<vmem>>, vector<16xf32>,
          %parallel_loop3A_246 = arith.constant 21 : i32
          %parallel_loop3A_247 = arith.index_cast %parallel_loop3A_246 : i32 to index
          %parallel_loop3A_248 = arith.index_cast %parallel_loop3A_56 : i32 to index
          %parallel_loop3A_249 = tpu.vector_load %arg9[%parallel_loop3A_247, %parallel_loop3A_248] {strides = array<i32>} : memref<24x64xf32, #tpu.memory_space<vmem>>, vector<16xf32>,
          tpu.vector_store %arg9[%parallel_loop3A_247, %parallel_loop3A_248], %parallel_loop3A_106 {strides = array<i32>} : memref<24x64xf32, #tpu.memory_space<vmem>>, vector<16xf32>,
          %parallel_loop3A_250 = arith.constant 22 : i32
          %parallel_loop3A_251 = arith.index_cast %parallel_loop3A_250 : i32 to index
          %parallel_loop3A_252 = arith.index_cast %parallel_loop3A_56 : i32 to index
          %parallel_loop3A_253 = tpu.vector_load %arg9[%parallel_loop3A_251, %parallel_loop3A_252] {strides = array<i32>} : memref<24x64xf32, #tpu.memory_space<vmem>>, vector<16xf32>,
          tpu.vector_store %arg9[%parallel_loop3A_251, %parallel_loop3A_252], %parallel_loop3A_116 {strides = array<i32>} : memref<24x64xf32, #tpu.memory_space<vmem>>, vector<16xf32>,
          %parallel_loop3A_254 = arith.constant 23 : i32
          %parallel_loop3A_255 = arith.index_cast %parallel_loop3A_254 : i32 to index
          %parallel_loop3A_256 = arith.index_cast %parallel_loop3A_56 : i32 to index
          %parallel_loop3A_257 = tpu.vector_load %arg9[%parallel_loop3A_255, %parallel_loop3A_256] {strides = array<i32>} : memref<24x64xf32, #tpu.memory_space<vmem>>, vector<16xf32>,
          tpu.vector_store %arg9[%parallel_loop3A_255, %parallel_loop3A_256], %parallel_loop3A_116 {strides = array<i32>} : memref<24x64xf32, #tpu.memory_space<vmem>>, vector<16xf32>,
          %parallel_loop3A_258 = arith.constant 0 : i32
          %parallel_loop3A_259 = arith.addi %parallel_loop3A_258, %parallel_loop3A_56 : i32
          %parallel_loop3A_260 = arith.index_cast %parallel_loop3A_259 : i32 to index
          %parallel_loop3A_261 = tpu.vector_load %arg10[%parallel_loop3A_260] {strides = array<i32>} : memref<64xf32, #tpu.memory_space<vmem>>, vector<16xf32>,
          tpu.vector_store %arg10[%parallel_loop3A_260], %parallel_loop3A_161 {strides = array<i32>} : memref<64xf32, #tpu.memory_space<vmem>>, vector<16xf32>,
        } {sc.loop_unroll_factor = 2 : i64, sc.parallel_access}
        %ge3A = arith.constant 1 : i32
        %ge3A_41 = arith.cmpi sge, %scan3A_17, %ge3A : i32
        %convert_element_type3A_42 = arith.extui %ge3A_41 : i1 to i32
        %cond3A_43 = arith.constant 0 : i32
        %cond3A_44 = arith.cmpi ne, %convert_element_type3A_42, %cond3A_43 : i32
        scf.if %cond3A_44 {
          %sub3A = arith.constant 1 : i32
          %sub3A_54 = arith.subi %scan3A_17, %sub3A : i32
          %sub3A_55 = arith.constant 1 : i32
          %sub3A_56 = arith.subi %sub3A_55, %rem3A_21 : i32
          %mul3A_57 = arith.constant 32 : i32
          %mul3A_58 = arith.muli %mul3A_57, %sub3A_54 : i32
          %add3A_59 = arith.addi %add3A, %mul3A_58 : i32
          %mul3A_60 = arith.constant 896 : i32
          %mul3A_61 = arith.muli %add3A_59, %mul3A_60 : i32
          %mul3A_62 = arith.constant 24 : i32
          %mul3A_63 = arith.muli %sub3A_56, %mul3A_62 : i32
          %dma_wait3A_64 = arith.constant 0 : i32
          %dma_wait3A_65 = tpu.memref_slice %arg6[%mul3A_63, %dma_wait3A_64] : memref<48x896xf32, #tpu.memory_space<vmem>> -> memref<24x896xf32, #tpu.memory_space<vmem>>
          %dma_wait3A_66 = arith.constant 0 : i32
          %dma_wait3A_67 = tpu.memref_slice %arg3[%dma_wait3A_66, %mul3A_61] : memref<24x1000000xf32, #tpu.memory_space<hbm>> -> memref<24x896xf32, #tpu.memory_space<hbm>>
          %dma_wait3A_68 = arith.constant 0 : i32
          %dma_wait3A_69 = tpu.memref_slice %arg3[%dma_wait3A_68, %mul3A_61] : memref<24x1000000xf32, #tpu.memory_space<hbm>> -> memref<24x896xf32, #tpu.memory_space<hbm>>
          %dma_wait3A_70 = arith.constant 0 : i32
          %dma_wait3A_71 = tpu.memref_slice %arg6[%mul3A_63, %dma_wait3A_70] : memref<48x896xf32, #tpu.memory_space<vmem>> -> memref<24x896xf32, #tpu.memory_space<vmem>>
          tpu.wait_dma2 semaphore(%arg12 : memref<!tpu.dma_semaphore, #tpu.memory_space<semaphore_mem>>) src(%dma_wait3A_71 : memref<24x896xf32, #tpu.memory_space<vmem>>) dst(%dma_wait3A_69 : memref<24x896xf32, #tpu.memory_space<hbm>>)
          %sub3A_72 = arith.constant 1 : i32
          %sub3A_73 = arith.subi %scan3A_17, %sub3A_72 : i32
          %sub3A_74 = arith.constant 1 : i32
          %sub3A_75 = arith.subi %sub3A_74, %rem3A_21 : i32
          %mul3A_76 = arith.constant 32 : i32
          %mul3A_77 = arith.muli %mul3A_76, %sub3A_73 : i32
          %add3A_78 = arith.addi %add3A, %mul3A_77 : i32
          %mul3A_79 = arith.constant 896 : i32
          %mul3A_80 = arith.muli %add3A_78, %mul3A_79 : i32
          %mul3A_81 = arith.constant 896 : i32
          %mul3A_82 = arith.muli %sub3A_75, %mul3A_81 : i32
          %dma_wait3A_83 = tpu.memref_slice %arg7[%mul3A_82] : memref<1792xf32, #tpu.memory_space<vmem>> -> memref<896xf32, #tpu.memory_space<vmem>>
          %dma_wait3A_84 = tpu.memref_slice %arg4[%mul3A_80] : memref<1000000xf32, #tpu.memory_space<hbm>> -> memref<896xf32, #tpu.memory_space<hbm>>
          %dma_wait3A_85 = tpu.memref_slice %arg4[%mul3A_80] : memref<1000000xf32, #tpu.memory_space<hbm>> -> memref<896xf32, #tpu.memory_space<hbm>>
          %dma_wait3A_86 = tpu.memref_slice %arg7[%mul3A_82] : memref<1792xf32, #tpu.memory_space<vmem>> -> memref<896xf32, #tpu.memory_space<vmem>>
          tpu.wait_dma2 semaphore(%arg12 : memref<!tpu.dma_semaphore, #tpu.memory_space<semaphore_mem>>) src(%dma_wait3A_86 : memref<896xf32, #tpu.memory_space<vmem>>) dst(%dma_wait3A_85 : memref<896xf32, #tpu.memory_space<hbm>>)
        } else {
        }
        %dma_start3A = arith.constant 0 : i32
        %dma_start3A_45 = arith.constant 999936 : i32
        %dma_start3A_46 = tpu.memref_slice %arg3[%dma_start3A, %dma_start3A_45] : memref<24x1000000xf32, #tpu.memory_space<hbm>> -> memref<24x64xf32, #tpu.memory_space<hbm>>
        %dma_start3A_47 = arith.constant 0 : i32
        %dma_start3A_48 = arith.constant 999936 : i32
        %dma_start3A_49 = tpu.memref_slice %arg3[%dma_start3A_47, %dma_start3A_48] : memref<24x1000000xf32, #tpu.memory_space<hbm>> -> memref<24x64xf32, #tpu.memory_space<hbm>>
        tpu.enqueue_dma source(%arg9 : memref<24x64xf32, #tpu.memory_space<vmem>>) target(%dma_start3A_49 : memref<24x64xf32, #tpu.memory_space<hbm>>) target_semaphore(%arg12 : memref<!tpu.dma_semaphore, #tpu.memory_space<semaphore_mem>>)
        %dma_start3A_50 = arith.constant 999936 : i32
        %dma_start3A_51 = tpu.memref_slice %arg4[%dma_start3A_50] : memref<1000000xf32, #tpu.memory_space<hbm>> -> memref<64xf32, #tpu.memory_space<hbm>>
        %dma_start3A_52 = arith.constant 999936 : i32
        %dma_start3A_53 = tpu.memref_slice %arg4[%dma_start3A_52] : memref<1000000xf32, #tpu.memory_space<hbm>> -> memref<64xf32, #tpu.memory_space<hbm>>
        tpu.enqueue_dma source(%arg10 : memref<64xf32, #tpu.memory_space<vmem>>) target(%dma_start3A_53 : memref<64xf32, #tpu.memory_space<hbm>>) target_semaphore(%arg12 : memref<!tpu.dma_semaphore, #tpu.memory_space<semaphore_mem>>)
      } else {
      }
    }
    %scan3A_11 = arith.constant 35 : i32
    %lt3A_12 = arith.constant 1117 : i32
    %lt3A_13 = arith.cmpi slt, %add3A, %lt3A_12 : i32
    %convert_element_type3A_14 = arith.extui %lt3A_13 : i1 to i32
    %cond3A_15 = arith.constant 0 : i32
    %cond3A_16 = arith.cmpi ne, %convert_element_type3A_14, %cond3A_15 : i32
    scf.if %cond3A_16 {
      %sub3A = arith.constant 1117 : i32
      %sub3A_17 = arith.subi %sub3A, %add3A : i32
      %add3A_18 = arith.constant 32 : i32
      %add3A_19 = arith.addi %sub3A_17, %add3A_18 : i32
      %sub3A_20 = arith.constant 1 : i32
      %sub3A_21 = arith.subi %add3A_19, %sub3A_20 : i32
      %jit3A = arith.constant 32 : i32
      %div3A = arith.divsi %sub3A_21, %jit3A : i32
      %sign3A = arith.constant 0 : i32
      %sign3A_22 = arith.cmpi sgt, %sub3A_21, %sign3A : i32
      %sign3A_23 = arith.extui %sign3A_22 : i1 to i32
      %sign3A_24 = arith.constant 0 : i32
      %sign3A_25 = arith.cmpi slt, %sub3A_21, %sign3A_24 : i32
      %sign3A_26 = arith.extui %sign3A_25 : i1 to i32
      %sign3A_27 = arith.subi %sign3A_23, %sign3A_26 : i32
      %sign3A_28 = arith.constant 0 : i32
      %sign3A_29 = arith.cmpi sgt, %jit3A, %sign3A_28 : i32
      %sign3A_30 = arith.extui %sign3A_29 : i1 to i32
      %sign3A_31 = arith.constant 0 : i32
      %sign3A_32 = arith.cmpi slt, %jit3A, %sign3A_31 : i32
      %sign3A_33 = arith.extui %sign3A_32 : i1 to i32
      %sign3A_34 = arith.subi %sign3A_30, %sign3A_33 : i32
      %ne3A = arith.cmpi ne, %sign3A_27, %sign3A_34 : i32
      %rem3A = arith.remsi %sub3A_21, %jit3A : i32
      %ne3A_35 = arith.constant 0 : i32
      %ne3A_36 = arith.cmpi ne, %rem3A, %ne3A_35 : i32
      %and3A = arith.andi %ne3A, %ne3A_36 : i1
      %sub3A_37 = arith.constant 1 : i32
      %sub3A_38 = arith.subi %div3A, %sub3A_37 : i32
      %select_n3A = arith.select %and3A, %sub3A_38, %div3A : i32
      %sub3A_39 = arith.constant 1 : i32
      %sub3A_40 = arith.subi %select_n3A, %sub3A_39 : i32
      %mul3A_41 = arith.constant 32 : i32
      %mul3A_42 = arith.muli %mul3A_41, %sub3A_40 : i32
      %add3A_43 = arith.addi %add3A, %mul3A_42 : i32
      %rem3A_44 = arith.constant 2 : i32
      %rem3A_45 = arith.remsi %sub3A_40, %rem3A_44 : i32
      %lt3A_46 = arith.constant 1116 : i32
      %lt3A_47 = arith.cmpi slt, %add3A_43, %lt3A_46 : i32
      %convert_element_type3A_48 = arith.extui %lt3A_47 : i1 to i32
      %cond3A_49 = arith.constant 0 : i32
      %cond3A_50 = arith.cmpi ne, %convert_element_type3A_48, %cond3A_49 : i32
      scf.if %cond3A_50 {
        %mul3A_56 = arith.constant 32 : i32
        %mul3A_57 = arith.muli %mul3A_56, %sub3A_40 : i32
        %add3A_58 = arith.addi %add3A, %mul3A_57 : i32
        %mul3A_59 = arith.constant 896 : i32
        %mul3A_60 = arith.muli %add3A_58, %mul3A_59 : i32
        %mul3A_61 = arith.constant 24 : i32
        %mul3A_62 = arith.muli %rem3A_45, %mul3A_61 : i32
        %dma_wait3A = arith.constant 0 : i32
        %dma_wait3A_63 = tpu.memref_slice %arg6[%mul3A_62, %dma_wait3A] : memref<48x896xf32, #tpu.memory_space<vmem>> -> memref<24x896xf32, #tpu.memory_space<vmem>>
        %dma_wait3A_64 = arith.constant 0 : i32
        %dma_wait3A_65 = tpu.memref_slice %arg3[%dma_wait3A_64, %mul3A_60] : memref<24x1000000xf32, #tpu.memory_space<hbm>> -> memref<24x896xf32, #tpu.memory_space<hbm>>
        %dma_wait3A_66 = arith.constant 0 : i32
        %dma_wait3A_67 = tpu.memref_slice %arg3[%dma_wait3A_66, %mul3A_60] : memref<24x1000000xf32, #tpu.memory_space<hbm>> -> memref<24x896xf32, #tpu.memory_space<hbm>>
        %dma_wait3A_68 = arith.constant 0 : i32
        %dma_wait3A_69 = tpu.memref_slice %arg6[%mul3A_62, %dma_wait3A_68] : memref<48x896xf32, #tpu.memory_space<vmem>> -> memref<24x896xf32, #tpu.memory_space<vmem>>
        tpu.wait_dma2 semaphore(%arg12 : memref<!tpu.dma_semaphore, #tpu.memory_space<semaphore_mem>>) src(%dma_wait3A_69 : memref<24x896xf32, #tpu.memory_space<vmem>>) dst(%dma_wait3A_67 : memref<24x896xf32, #tpu.memory_space<hbm>>)
        %mul3A_70 = arith.constant 32 : i32
        %mul3A_71 = arith.muli %mul3A_70, %sub3A_40 : i32
        %add3A_72 = arith.addi %add3A, %mul3A_71 : i32
        %mul3A_73 = arith.constant 896 : i32
        %mul3A_74 = arith.muli %add3A_72, %mul3A_73 : i32
        %mul3A_75 = arith.constant 896 : i32
        %mul3A_76 = arith.muli %rem3A_45, %mul3A_75 : i32
        %dma_wait3A_77 = tpu.memref_slice %arg7[%mul3A_76] : memref<1792xf32, #tpu.memory_space<vmem>> -> memref<896xf32, #tpu.memory_space<vmem>>
        %dma_wait3A_78 = tpu.memref_slice %arg4[%mul3A_74] : memref<1000000xf32, #tpu.memory_space<hbm>> -> memref<896xf32, #tpu.memory_space<hbm>>
        %dma_wait3A_79 = tpu.memref_slice %arg4[%mul3A_74] : memref<1000000xf32, #tpu.memory_space<hbm>> -> memref<896xf32, #tpu.memory_space<hbm>>
        %dma_wait3A_80 = tpu.memref_slice %arg7[%mul3A_76] : memref<1792xf32, #tpu.memory_space<vmem>> -> memref<896xf32, #tpu.memory_space<vmem>>
        tpu.wait_dma2 semaphore(%arg12 : memref<!tpu.dma_semaphore, #tpu.memory_space<semaphore_mem>>) src(%dma_wait3A_80 : memref<896xf32, #tpu.memory_space<vmem>>) dst(%dma_wait3A_79 : memref<896xf32, #tpu.memory_space<hbm>>)
      } else {
      }
      %eq3A_51 = arith.constant 1116 : i32
      %eq3A_52 = arith.cmpi eq, %add3A_43, %eq3A_51 : i32
      %convert_element_type3A_53 = arith.extui %eq3A_52 : i1 to i32
      %cond3A_54 = arith.constant 0 : i32
      %cond3A_55 = arith.cmpi ne, %convert_element_type3A_53, %cond3A_54 : i32
      scf.if %cond3A_55 {
        %dma_wait3A = arith.constant 0 : i32
        %dma_wait3A_56 = arith.constant 999936 : i32
        %dma_wait3A_57 = tpu.memref_slice %arg3[%dma_wait3A, %dma_wait3A_56] : memref<24x1000000xf32, #tpu.memory_space<hbm>> -> memref<24x64xf32, #tpu.memory_space<hbm>>
        %dma_wait3A_58 = arith.constant 0 : i32
        %dma_wait3A_59 = arith.constant 999936 : i32
        %dma_wait3A_60 = tpu.memref_slice %arg3[%dma_wait3A_58, %dma_wait3A_59] : memref<24x1000000xf32, #tpu.memory_space<hbm>> -> memref<24x64xf32, #tpu.memory_space<hbm>>
        tpu.wait_dma2 semaphore(%arg12 : memref<!tpu.dma_semaphore, #tpu.memory_space<semaphore_mem>>) src(%arg9 : memref<24x64xf32, #tpu.memory_space<vmem>>) dst(%dma_wait3A_60 : memref<24x64xf32, #tpu.memory_space<hbm>>)
        %dma_wait3A_61 = arith.constant 999936 : i32
        %dma_wait3A_62 = tpu.memref_slice %arg4[%dma_wait3A_61] : memref<1000000xf32, #tpu.memory_space<hbm>> -> memref<64xf32, #tpu.memory_space<hbm>>
        %dma_wait3A_63 = arith.constant 999936 : i32
        %dma_wait3A_64 = tpu.memref_slice %arg4[%dma_wait3A_63] : memref<1000000xf32, #tpu.memory_space<hbm>> -> memref<64xf32, #tpu.memory_space<hbm>>
        tpu.wait_dma2 semaphore(%arg12 : memref<!tpu.dma_semaphore, #tpu.memory_space<semaphore_mem>>) src(%arg10 : memref<64xf32, #tpu.memory_space<vmem>>) dst(%dma_wait3A_64 : memref<64xf32, #tpu.memory_space<hbm>>)
      } else {
      }
    } else {
    }
    return
  }
}

</mosaic_0001>

<sc_bundles>
// kernel: ungrounded_micro_program_sc.3.cloned.1.call-start
scs
__scs_entry_jumppad:
0x0: {  	(pc) =	sbr.rel $0x88, $3  }
0x1: {  	(tag) =	ssettag $0x0;
	lr =	simm.s32 $0x1  }
0x2: {  	[smem:$0x3FA0] =	sst lr;
	_ =	strace $0xD0000000  }
0x3: {  	_ = 	snop  }
0x4: {  	_ = 	snop  }
0x5: {  	_ = 	snop  }
0x6: {  	_ = 	snop  }
0x7: {  	_ = 	snop  }
__scs_overlays_trampoline_lowered:
0x8: {  	[smem:$0x3FAF] =	sst s0  }
0x9: {  	[smem:$0x3FB0] =	sst s1  }
0xa: {  	[smem:$0x3FB1] =	sst s2  }
0xb: {  	[smem:$0x3FB2] =	sst s3  }
0xc: {  	[smem:$0x3FB3] =	sst s4  }
0xd: {  	[smem:$0x3FB4] =	sst s5  }
0xe: {  	[smem:$0x3FB5] =	sst s6  }
0xf: {  	[smem:$0x3FB6] =	sst s7  }
0x10: {  	[smem:$0x3FB7] =	sst s8  }
0x11: {  	[smem:$0x3FB8] =	sst s9;
	s0 =	simm.s32 @!p0 $0x0  }
0x12: {  	s1 =	sld [smem:$0x3F9E];
	s0 =	simm.s32 @p0 $0x1  }
0x13: {  	[smem:$0x3FB9] =	sst s0;
	s0 =	simm.s32 @!p1 $0x0  }
0x14: {  	s2 =	sld [smem:$0x3F9D];
	s0 =	simm.s32 @p1 $0x1  }
0x15: {  	[smem:$0x3FBA] =	sst s0;
	s0 =	simm.s32 @!p2 $0x0  }
0x16: {  	s3 =	sld [smem:$0x3FDB];
	s0 =	simm.s32 @p2 $0x1  }
0x17: {  	s4 =	simm.s32 $0x1BF5;
	[smem:$0x3FBC] =	sst s0  }
0x18: {  	s0 =	sld [smem:$0x3F9F];
	_ =	swait.ge [sflag:s4], $0x0  }
0x19: {  	s7 =	sld [smem:$0x3FA0]  }
0x1a: {  	s8 =	sadd.s32 $0xFFFFE003, lr  }
0x1b: {  	s9 =	sadd.s32 $0xFFFFFEF7, lr;
	s5 =	simm.s32 $0xFFFFFFFF;
	p2 =	slt.u32 s8, $0xFFFFF086  }
0x1c: {  	p1 =	slt.u32 s9, $0xF7A;
	s5 =	simm.s32 @!p2 $0x0  }
0x1d: {  	s5 =	simm.s32 @p1 $0x1;
	p0 =	seq.s32 s7, s2  }
0x1e: {  	s7 =	smul.u32 @!p0 $0xF7A, s2;
	p2 =	seq.s32 @!p0 s5, $0x0  }
0x1f: {  	s9 =	smul.u32 $0xF7A, s1;
	s8 =	simm.s32 @!p0 $0x1BF5;
	p2 =	por !p2, p0  }
0x20: {  	[sflag:s8] =	ssyncset.s32 @!p0 $0xFFFFF086;
	s6 =	sadd.s32 @!p0 s3, s7;
	s7 =	simm.s32 @!p0 $0x108  }
0x21: {  	s3 =	sadd.s32 s3, s9;
	s6 =	sadd.s32 @!p0 $0x88, s6;
	s7 =	simm.s32 @p2 $0x1082  }
0x22: {  	[simem:s7], [sflag:s8] =	dma.local @!p0 [hbm:s6], $0xF7A  }
0x23: {  	s9 =	sor.u32 $0xD0000000, s2;
	s6 =	simm.s32 $0x108;
	_ =	swait.ge @!p0 [sflag:s8], $0x0  }
0x24: {  	s3 =	sadd.s32 $0x88, s3;
	s6 =	simm.s32 @!p1 $0x1082;
	[sflag:s4] =	ssyncset.s32 $0xFFFFF086  }
0x25: {  	[simem:s6], [sflag:s4] =	dma.local [hbm:s3], $0xF7A  }
0x26: {  	[smem:$0x3FA0] =	sst s1;
	(tag) =	ssettag s2;
	_ =	strace s9  }
0x27: {  	s1 =	sld [smem:$0x3FB0]  }
0x28: {  	s2 =	sld [smem:$0x3FB1]  }
0x29: {  	s4 =	sld [smem:$0x3FB3]  }
0x2a: {  	p0 =	seq.s32 s5, $0x0;
	s5 =	sld [smem:$0x3FB4]  }
0x2b: {  	s6 =	sld [smem:$0x3FB5]  }
0x2c: {  	s7 =	sld [smem:$0x3FB6]  }
0x2d: {  	s3 =	simm.s32 $0x108;
	s8 =	sld [smem:$0x3FB7]  }
0x2e: {  	s3 =	simm.s32 @!p0 $0x1082;
	s9 =	sld [smem:$0x3FB8]  }
0x2f: {  	lr =	sadd.s32 s0, s3;
	s0 =	sld [smem:$0x3FAF]  }
0x30: {  	s3 =	sld [smem:$0x3FB2]  }
0x31: {  	[smem:$0x3FBB] =	sst s10  }
0x32: {  	s10 =	sld [smem:$0x3FB9];
	_ =	sdelay $0x3  }
0x33: {  	p0 =	seq.s32 s10, $0x1;
	s10 =	sld [smem:$0x3FBB];
	_ =	sdelay $0x3  }
0x34: {  	[smem:$0x3FBB] =	sst s10  }
0x35: {  	s10 =	sld [smem:$0x3FBA];
	_ =	sdelay $0x3  }
0x36: {  	p1 =	seq.s32 s10, $0x1;
	s10 =	sld [smem:$0x3FBB];
	_ =	sdelay $0x3  }
0x37: {  	[smem:$0x3FBB] =	sst s10  }
0x38: {  	s10 =	sld [smem:$0x3FBC]  }
0x39: {  	_ = 	snop;
	(pc) =	sbr.ind lr, $3  }
0x3a: {  	_ = 	snop  }
0x3b: {  	_ = 	snop  }
0x3c: {  	p2 =	seq.s32 s10, $0x1;
	s10 =	sld [smem:$0x3FBB]  }
0x3d: {  	_ =	shalt  }
0x3e: {  	_ =	shalt  }
0x3f: {  	_ =	shalt  }
0x40: {  	_ =	shalt  }
0x41: {  	_ =	shalt  }
0x42: {  	_ =	shalt  }
0x43: {  	_ =	shalt  }
0x44: {  	_ =	shalt  }
0x45: {  	_ =	shalt  }
0x46: {  	_ =	shalt  }
0x47: {  	_ =	shalt  }
0x48: {  	_ =	shalt  }
0x49: {  	_ =	shalt  }
0x4a: {  	_ =	shalt  }
0x4b: {  	_ =	shalt  }
0x4c: {  	_ =	shalt  }
0x4d: {  	_ =	shalt  }
0x4e: {  	_ =	shalt  }
0x4f: {  	_ =	shalt  }
0x50: {  	_ =	shalt  }
0x51: {  	_ =	shalt  }
0x52: {  	_ =	shalt  }
0x53: {  	_ =	shalt  }
0x54: {  	_ =	shalt  }
0x55: {  	_ =	shalt  }
0x56: {  	_ =	shalt  }
0x57: {  	_ =	shalt  }
0x58: {  	_ =	shalt  }
0x59: {  	_ =	shalt  }
0x5a: {  	_ =	shalt  }
0x5b: {  	_ =	shalt  }
0x5c: {  	_ =	shalt  }
0x5d: {  	_ =	shalt  }
0x5e: {  	_ =	shalt  }
0x5f: {  	_ =	shalt  }
0x60: {  	_ =	shalt  }
0x61: {  	_ =	shalt  }
0x62: {  	_ =	shalt  }
0x63: {  	_ =	shalt  }
0x64: {  	_ =	shalt  }
0x65: {  	_ =	shalt  }
0x66: {  	_ =	shalt  }
0x67: {  	_ =	shalt  }
0x68: {  	_ =	shalt  }
0x69: {  	_ =	shalt  }
0x6a: {  	_ =	shalt  }
0x6b: {  	_ =	shalt  }
0x6c: {  	_ =	shalt  }
0x6d: {  	_ =	shalt  }
0x6e: {  	_ =	shalt  }
0x6f: {  	_ =	shalt  }
0x70: {  	_ =	shalt  }
0x71: {  	_ =	shalt  }
0x72: {  	_ =	shalt  }
0x73: {  	_ =	shalt  }
0x74: {  	_ =	shalt  }
0x75: {  	_ =	shalt  }
0x76: {  	_ =	shalt  }
0x77: {  	_ =	shalt  }
0x78: {  	_ =	shalt  }
0x79: {  	_ =	shalt  }
0x7a: {  	_ =	shalt  }
0x7b: {  	_ =	shalt  }
0x7c: {  	_ =	shalt  }
0x7d: {  	_ =	shalt  }
0x7e: {  	_ =	shalt  }
0x7f: {  	_ =	shalt  }
0x80: {  	_ =	shalt  }
0x81: {  	_ =	shalt  }
0x82: {  	_ =	shalt  }
0x83: {  	_ =	shalt  }
0x84: {  	_ =	shalt  }
0x85: {  	_ =	shalt  }
0x86: {  	_ =	shalt  }
0x87: {  	_ =	shalt  }
.Lfunc_end0:
.L_simem_size_0:
called_computation_lowered:
.L_overlay_start_0:
0x88: {  	s2 =	sld [smem:$0x3FD9]  }
0x89: {  	s3 =	sld [smem:$0x3FFE];
	_ =	sdelay $0x1  }
0x8a: {  	s1 =	srdreg.scid  }
0x8b: {  	s0 =	sand.u32 $0x1, s1  }
0x8c: {  	s14 =	sshll.u32 s0, $0xA;
	s2 =	sadd.s32 s3, s2  }
0x8d: {  	s2 =	sadd.s32 s2, s14  }
0x8e: {  	[smem:$0x3FC7] =	sst s2  }
0x8f: {  	_ = 	snop  }
0x90: {  	s2 =	sld [smem:$0x3FD0];
	_ =	sdelay $0x2  }
0x91: {  	s4 =	simm.s32 $0xA;
	s5 =	simm.s32 $0x10;
	s15 =	sld [smem:$0x3FC9]  }
0x92: {  	[smem:s5], [sflag:s4] =	dma.local [hbm:s2], $0x1  }
0x93: {  	_ =	swait.eq [sflag:s4], $0x1  }
0x94: {  	[sflag:s4] =	ssyncset.done $0x0  }
0x95: {  	[sflag:s4] =	ssyncadd.s32 $0xFFFFFFFF  }
0x96: {  	s16 =	sld [smem:$0x11];
	(tm) =	ssettm $0x1  }
0x97: {  	s17 =	sld [smem:$0x3FFB];
	_ =	sdelay $0x3  }
0x98: {  	_ =	strace s17  }
0x99: {  	s4 =	sld [smem:$0x3FFC];
	_ =	sdelay $0x3  }
0x9a: {  	_ =	strace s4  }
0x9b: {  	s4 =	sld [smem:$0x3FFD];
	_ =	sdelay $0x3  }
0x9c: {  	_ =	strace s4  }
0x9d: {  	_ =	strace $0x8FFFFFFF  }
0x9e: {  	s18 =	sld [smem:$0x3FDB];
	_ =	sdelay $0x1  }
0x9f: {  	s19 =	simm.s32 $_scs_section_size  }
0xa0: {  	s6 =	simm.s32 $_size__tile_overlayer_lowered;
	s7 =	simm.s32 $_tile_overlayer_lowered  }
0xa1: {  	s22 =	simm.s32 $0x1BFF;
	s21 =	sshll.u32 s7, $0x1;
	s4 =	sadd.s32 s19, s18  }
0xa2: {  	s8 =	simm.s32 $0x0;
	s20 =	sshll.u32 s6, $0x1;
	s6 =	sadd.s32 s21, s4  }
0xa3: {  	[timem:s8], [sflag:s22] =	dma.local [hbm:s6], s20  }
0xa4: {  	_ =	swait.ge [sflag:s22], s20  }
0xa5: {  	s5 =	ssub.s32 $0x0, s20;
	[sflag:s22] =	ssyncset.done $0x0  }
0xa6: {  	[sflag:s22] =	ssyncadd.s32 s5;
	_ =	sdelay $0x1  }
0xa7: {  	s23 =	simm.s32 $0x1B8B  }
0xa8: {  	_ =	swait.ge [sflag:s23], $0x1  }
0xa9: {  	[sflag:s23] =	ssyncset.done $0x0  }
0xaa: {  	s25 =	simm.s32 $0x1B8E;
	s24 =	sld [smem:$0x3FFE];
	[sflag:s23] =	ssyncadd.s32 $0xFFFFFFFF  }
0xab: {  	s26 =	simm.s32 $execute0_lowered;
	[smem:$0x3FD2] =	sst s25  }
0xac: {  	s6 =	sshll.u32 s26, $0x1;
	_ =	strace $0x80000046;
	[dreg:$0x1] =	wrdreg $0xFFFFFFFF  }
0xad: {  	s28 =	simm.s32 $_size_execute0_lowered;
	s4 =	sadd.s32 s4, s6;
	[dreg:$0x0] =	wrdreg $0x0  }
0xae: {  	s6 =	sshll.u32 s28, $0x1;
	[dreg:$0x2] =	wrdreg s4  }
0xaf: {  	[dreg:$0x3] =	wrdreg s6  }
0xb0: {  	[dreg:$0x4] =	wrdreg $0xC0  }
0xb1: {  	_ =	task [dreg:s8], $0x5FFFF  }
0xb2: {  	[dreg:$0x1] =	wrdreg $0xFFFFFFFF  }
0xb3: {  	[dreg:$0x0] =	wrdreg $0x60  }
0xb4: {  	[dreg:$0x2] =	wrdreg s15  }
0xb5: {  	[dreg:$0x3] =	wrdreg s16  }
0xb6: {  	[dreg:$0x4] =	wrdreg s24  }
0xb7: {  	[dreg:$0x5] =	wrdreg $0x9  }
0xb8: {  	_ =	task.clear_ibuf [dreg:s8], $0x6FFFF;
	_ =	strace $0x90000046  }
0xb9: {  	s29 =	simm.s32 $0x9;
	_ =	strace $0x80000048  }
0xba: {  	_ =	swait.ge [sflag:s29], $0x1  }
0xbb: {  	[sflag:s29] =	ssyncadd.s32 $0xFFFFFFFF  }
0xbc: {  	_ =	strace $0x90000048  }
0xbd: {  	_ =	sfence  }
0xbe: {  	s30 =	sld [smem:$0x0];
	_ =	sdelay $0x2  }
0xbf: {  	s31 =	sshll.u32 s1, $0xD;
	s1 =	sshrl.u32 s1, $0x2  }
0xc0: {  	s3 =	sand.u32 $0x4000, s31;
	s1 =	sadd.s32 s1, s30  }
0xc1: {  	s0 =	sor.u32 s3, s0;
	s1 =	sshll.u32 s1, $0x11  }
0xc2: {  	s0 =	sor.u32 s1, s0  }
0xc3: {  	s0 =	sadd.s32 $0x8F2B, s0  }
0xc4: {  	[sflag:s0] =	ssyncadd.remote.s32 $0x1  }
0xc5: {  	_ =	sfence.sel $0xFFFF  }
0xc6: {  	[dreg:$0x0] =	wrdreg $0xFFFFFFFF;
	(pc) =	sbr.abs _section_cstart, $3  }
0xc7: {  	[dreg:$0x1] =	wrdreg $0xFFFFFFFF  }
0xc8: {  	_ =	task.clear_ibuf [dreg:s8], $0x2FFFF;
	_ =	strace $0x9FFFFFFF  }
0xc9: {  	(tm) =	ssettm $0x7FFFFFFF  }
tec
execute0_lowered:
.L_overlay_start_1:
0x0: {  	(tag) =	ssettag $0x1  }
0x1: {  	s1 =	rddreg [dreg:$0x0]  }
0x2: {  	s2 =	rddreg [dreg:$0x1]  }
0x3: {  	s0 =	rddreg [dreg:$0x2];
	s3 =	srdreg.scid  }
0x4: {  	s4 =	simm.s32 $0x0;
	s6 =	stileid.u32;
	s13 =	simm.s32 $0x1C00  }
0x5: {  	s14 =	simm.s32 $0x7A1400;
	s15 =	simm.s32 $0x1;
	s3 =	sand.u32 $0x1, s3  }
0x6: {  	[smem:$0x7FF] =	sst s4;
	s10 =	smov.u32 s1;
	s11 =	smov.u32 s2  }
0x7: {  	s30 =	sadd.s32 $0xF4200, s2;
	s2 =	simm.s32 $0x0;
	s5 =	sshll.u32 s3, $0x4  }
0x8: {  	_ =	strace $0x80000047;
	s3 =	ssub.s32 $0x2, s3;
	s5 =	sor.u32 s6, s5  }
0x9: {  	[dreg:$0xb] =	wrdreg s30;
	s7 =	sshrl.u32 s3, $0x1;
	s9 =	ssub.s32 $0x47C, s5  }
0xa: {  	s6 =	sadd.s32 $0xA00, s0;
	s0 =	sadd.s32 $0x1F240, s0;
	s29 =	sand.u32 $0x460, s9  }
.Ltmp0:
0xb: {  	s3 =	ssub.s32 s3, s7;
	s7 =	sor.u32 s5, s29;
	(pc) =	sbr.rel .LBB2_1-.Ltmp0, $4  }
0xc: {  	s8 =	smul.u32 $0x380, s5;
	[dreg:$0xc] =	wrdreg s0;
	s7 =	sadd.s32 $0xFFFFFFE0, s7  }
0xd: {  	s9 =	sadd.s32 $0xF4200, s1;
	s31 =	smax.u32 s3, $0x1;
	p0 =	sgt.u32 s7, $0x45B  }
0xe: {  	s8 =	sadd.s32 s1, s8;
	[dreg:$0xd] =	wrdreg s31;
	p1 =	sne.s32 @p0 s7, $0x45C  }
0xf: {  	v0 =	vimm.f32 $0.0e+00;
	[dreg:$0xa] =	wrdreg s8;
	s8 =	sor.u32 $0x20, s5;
	p1 =	por p1, !p0  }
.LBB2_11:
0x10: {  	s0 =	simm.s32 @!p1 $0x2  }
0x11: {  	_ =	swait.ge @!p1 [sflag:s0], $0xC00  }
0x12: {  	[sflag:s0] =	ssyncset.done @!p1 $0x0  }
0x13: {  	[sflag:s0] =	ssyncadd.s32 @!p1 $0xFFFFF400  }
0x14: {  	_ =	swait.ge @!p1 [sflag:s0], $0x40  }
0x15: {  	[sflag:s0] =	ssyncset.done @!p1 $0x0  }
0x16: {  	[sflag:s0] =	ssyncadd.s32 @!p1 $0xFFFFFFC0;
	s0 =	simm.s32 @!p0 $0x2  }
0x17: {  	_ =	swait.ge @!p0 [sflag:s0], $0x5400  }
0x18: {  	[sflag:s0] =	ssyncset.done @!p0 $0x0  }
0x19: {  	[sflag:s0] =	ssyncadd.s32 @!p0 $0xFFFFAC00  }
0x1a: {  	_ =	swait.ge @!p0 [sflag:s0], $0x380  }
0x1b: {  	s2 =	rddreg [dreg:$0xe]  }
0x1c: {  	s1 =	rddreg [dreg:$0xd];
	s2 =	sadd.s32 $0x1, s2  }
0x1d: {  	p2 =	sne.s32 s2, s1  }
.Ltmp1:
0x1e: {  	_ = 	snop;
	(pc) =	sbr.rel @!p2 .LBB2_12-.Ltmp1, $3  }
0x1f: {  	_ =	sdelay $0x1  }
0x20: {  	[sflag:s0] =	ssyncset.done @!p0 $0x0  }
0x21: {  	[sflag:s0] =	ssyncadd.s32 @!p0 $0xFFFFFC80  }
.LBB2_1:
.Ltmp2:
0x22: {  	(pc) =	sbr.rel .LBB2_2-.Ltmp2, $4  }
0x23: {  	_ = 	snop  }
0x24: {  	[dreg:$0xe] =	wrdreg s2  }
0x25: {  	s0 =	rddreg [dreg:$0xa];
	p2 =	por $0x0, $0x0;
	s20 =	simm.s32 $0x0  }
0x26: {  	[tilespmem:s4], [sflag:$0x1] =	stream.strided.gather [hbm4b:s0+s13], $0x7000, s14, s13, $0x38;
	[tilespmem:$0x1AB80] =	vst v63  }
.LBB2_10:
0x27: {  	s20 =	sadd.s32 $0x1, s20  }
0x28: {  	p3 =	sne.s32 s20, $0x23  }
.Ltmp3:
0x29: {  	_ = 	snop;
	(pc) =	sbr.rel @!p3 .LBB2_11-.Ltmp3, $2  }
0x2a: {  	_ =	sdelay $0x2  }
0x2b: {  	p2 =	por !p2, !p2  }
.LBB2_2:
0x2c: {  	s0 =	sshll.u32 s20, $0x5  }
0x2d: {  	s21 =	sor.u32 s5, s0  }
0x2e: {  	p3 =	sgt.u32 s21, $0x45B  }
.Ltmp4:
0x2f: {  	_ = 	snop;
	(pc) =	sbr.rel @p3 .LBB2_6-.Ltmp4, $1  }
0x30: {  	_ =	sdelay $0x3  }
0x31: {  	s24 =	sand.u32 $0x1, s20  }
0x32: {  	s3 =	simm.s32 $0x1;
	p3 =	sgt.u32 s21, $0x43B;
	s26 =	smul.u32 $0x18, s24  }
0x33: {  	s3 =	simm.s32 @!p2 $0x0;
	p4 =	sne.s32 @p3 s21, $0x43C;
	s17 =	smul.u32 $0x1C000, s24  }
0x34: {  	s0 =	sadd.s32 @!p3 s8, s0;
	s3 =	smul.u32 $0x380, s3;
	p4 =	por p4, !p3  }
0x35: {  	s0 =	smul.u32 @!p3 $0x380, s0;
	s7 =	simm.s32 @!p4 $0x400  }
0x36: {  	s12 =	simm.s32 @!p4 $0x7A1400;
	s16 =	simm.s32 @!p4 $0x18F00;
	s22 =	sshrl.u32 s17, $0x2  }
0x37: {  	s29 =	sshrl.u32 s26, $0x3;
	s30 =	sadd.s32 $0x8, s26;
	[dreg:$0x9] =	wrdreg s3  }
0x38: {  	s3 =	sshll.u32 @!p3 s24, $0x2;
	s0 =	sadd.s32 @!p3 s10, s0;
	_ =	swait.ge [sflag:s15], $0x7000  }
0x39: {  	s2 =	smul.u32 $0x7000, s29;
	s3 =	sxor.u32 @!p3 $0x4, s3;
	[sflag:s15] =	ssyncset.done $0x0  }
0x3a: {  	s1 =	sadd.s32 $0x1C00, s22;
	s3 =	smul.u32 @!p3 $0x7000, s3;
	[sflag:s15] =	ssyncadd.s32 $0xFFFF9000  }
0x3b: {  	[tilespmem:s16], [sflag:$0x1] =	stream.strided.gather @!p4 [hbm4b:s9+s7], $0x1000, s12, s7, $0x38;
	[tilespmem:$0x1AB80] =	vst v63  }
0x3c: {  	s3 =	sshrl.u32 @!p3 s3, $0x2;
	s12 =	simm.s32 @!p3 $0x1C00;
	s16 =	simm.s32 @!p3 $0x7A1400  }
0x3d: {  	[tilespmem:s3], [sflag:$0x1] =	stream.strided.gather @!p3 [hbm4b:s0+s12], $0x7000, s16, s12, $0x38;
	[tilespmem:$0x1AB80] =	vst v63  }
0x3e: {  	s17 =	sadd.s32 $0x5400, s22;
	s18 =	sadd.s32 $0xE000, s2;
	s3 =	sshrl.u32 s30, $0x3  }
0x3f: {  	[dreg:$0x4] =	wrdreg s1;
	s19 =	sshrl.u32 s18, $0x2;
	s0 =	smul.u32 $0x7000, s3  }
0x40: {  	s25 =	simm.s32 $0x0;
	[dreg:$0x6] =	wrdreg s17;
	s23 =	sadd.s32 $0xE000, s19  }
0x41: {  	s19 =	sand.u32 $0x1C00, s25;
	[dreg:$0x8] =	wrdreg s23;
	s0 =	sshrl.u32 s0, $0x2  }
0x42: {  	s17 =	sadd.s32 s19, s22;
	s3 =	sand.u32 $0x60, s25;
	s0 =	sadd.s32 $0xE000, s0  }
0x43: {  	s16 =	sadd.s32 $0x3800, s22;
	[dreg:$0x7] =	wrdreg s0;
	s0 =	sor.u32 $0x10, s3  }
0x44: {  	[dreg:$0x5] =	wrdreg s16;
	s23 =	sadd.s32 s0, s17  }
0x45: {  	s26 =	rddreg [dreg:$0x4];
	v1 =	vld [tilespmem:s23+$0x0]  }
0x46: {  	s29 =	rddreg [dreg:$0x6];
	s25 =	sadd.s32 s19, s26;
	v2 =	vld [tilespmem:s23+$0x200]  }
0x47: {  	s18 =	sadd.s32 s19, s29;
	s1 =	sadd.s32 s0, s25;
	v3 =	vld [tilespmem:s23+$0x280]  }
0x48: {  	s30 =	rddreg [dreg:$0x5];
	s26 =	sadd.s32 s0, s18;
	v4 =	vld [tilespmem:s1+$0x200]  }
0x49: {  	s28 =	sadd.s32 s19, s30;
	v5 =	vld [tilespmem:s26+$0x80]  }
0x4a: {  	s7 =	sadd.s32 s0, s28;
	v6 =	vld [tilespmem:s1+$0x280]  }
0x4b: {  	v7 =	vld [tilespmem:s7+$0x80]  }
0x4c: {  	s12 =	sshrl.u32 s2, $0x2;
	v8 =	vld [tilespmem:s7+$0x200]  }
0x4d: {  	v9 =	vld [tilespmem:s1+$0x80];
	s23 =	sadd.s32 $0xE000, s12;
	v4 =	vsub.f32 v2, v4  }
0x4e: {  	v10 =	vld [tilespmem:s7+$0x280];
	s16 =	sadd.s32 s19, s23  }
0x4f: {  	v11 =	vld [tilespmem:s26+$0x200];
	s2 =	sadd.s32 s0, s16;
	v6 =	vsub.f32 v3, v6;
	v4 =	vand.u32 $0x7FFFFFFF, v4  }
0x50: {  	v12 =	vld [tilespmem:s26+$0x280];
	[tilespmem:s2+$0x0] =	vst v4  }
0x51: {  	v8 =	vsub.f32 v2, v8;
	v6 =	vand.u32 $0x7FFFFFFF, v6;
	[tilespmem:s2+$0x80] =	vst v4  }
0x52: {  	[tilespmem:s2+$0x100] =	vst v6  }
0x53: {  	v10 =	vsub.f32 v3, v10;
	v8 =	vand.u32 $0x7FFFFFFF, v8;
	s29 =	rddreg [dreg:$0x7];
	[tilespmem:s2+$0x180] =	vst v6  }
0x54: {  	[tilespmem:s2+$0x200] =	vst v8  }
0x55: {  	v2 =	vsub.f32 v2, v11;
	v10 =	vand.u32 $0x7FFFFFFF, v10;
	[tilespmem:s2+$0x280] =	vst v8  }
0x56: {  	[tilespmem:s2+$0x300] =	vst v10;
	s7 =	sadd.s32 s19, s29  }
0x57: {  	v3 =	vsub.f32 v3, v12;
	v2 =	vand.u32 $0x7FFFFFFF, v2;
	[tilespmem:s2+$0x380] =	vst v10;
	s30 =	sadd.s32 s0, s7  }
0x58: {  	[tilespmem:s30+$0x0] =	vst v2  }
0x59: {  	v3 =	vand.u32 $0x7FFFFFFF, v3;
	[tilespmem:s30+$0x80] =	vst v2  }
0x5a: {  	[tilespmem:s30+$0x100] =	vst v3  }
0x5b: {  	s12 =	rddreg [dreg:$0x8];
	[tilespmem:s30+$0x180] =	vst v3  }
0x5c: {  	s25 =	sadd.s32 s3, s25;
	[tilespmem:s30+$0x200] =	vst v4  }
0x5d: {  	s17 =	sadd.s32 s3, s17;
	v61 =	vld [tilespmem:s25+$0x280];
	[tilespmem:s30+$0x280] =	vst v4  }
0x5e: {  	s18 =	sadd.s32 s3, s18;
	v15 =	vld [tilespmem:s17+$0x200];
	[tilespmem:s30+$0x300] =	vst v6;
	s12 =	sadd.s32 s19, s12  }
0x5f: {  	v62 =	vld [tilespmem:s18+$0x80];
	[tilespmem:s30+$0x380] =	vst v6;
	s2 =	sadd.s32 s0, s12  }
0x60: {  	s1 =	sadd.s32 s3, s28;
	v11 =	vld [tilespmem:s25+$0x200];
	[tilespmem:s2+$0x0] =	vst v8  }
0x61: {  	v13 =	vld [tilespmem:s1+$0x200];
	s28 =	rddreg [dreg:$0x9];
	[tilespmem:s2+$0x80] =	vst v8  }
0x62: {  	vm0 =	vgt.f32 v1, $8.000000110e-01;
	v1 =	vld [tilespmem:s17+$0x280];
	[tilespmem:s2+$0x100] =	vst v10  }
0x63: {  	v14 =	vld [tilespmem:s1+$0x280];
	vm1 =	vgt.f32 v7, $8.000000110e-01;
	[tilespmem:s2+$0x180] =	vst v10  }
0x64: {  	vm2 =	vgt.f32 v9, $8.000000110e-01;
	v7 =	vld [tilespmem:s18+$0x200];
	v4 =	vmin.f32 v4, v6;
	v6 =	vmin.f32 v8, v10;
	[tilespmem:s2+$0x200] =	vst v2  }
0x65: {  	v9 =	vld [tilespmem:s25+$0x80];
	v4 =	vmin.f32 v4, v6;
	v6 =	vmin.f32 v2, v3;
	[tilespmem:s2+$0x280] =	vst v2;
	v2 =	vsub.f32 v15, v11  }
0x66: {  	vm9 =	vgt.f32 v5, $8.000000110e-01;
	v8 =	vld [tilespmem:s18+$0x280];
	[tilespmem:s2+$0x300] =	vst v3  }
0x67: {  	s16 =	sadd.s32 s3, s16;
	vm0 =	vmand vm0, vm2;
	v10 =	vld [tilespmem:s17+$0x0];
	[tilespmem:s2+$0x380] =	vst v3;
	v3 =	vsub.f32 v1, v61;
	v5 =	vand.u32 $0x7FFFFFFF, v2  }
0x68: {  	vm0 =	vmand vm0, vm1;
	v4 =	vmin.f32 v4, v6;
	v11 =	vld [tilespmem:s1+$0x80];
	s28 =	sadd.s32 $0x0, s28;
	[tilespmem:s16+$0x0] =	vst v5  }
0x69: {  	vm0 =	vmand vm0, vm9;
	vm10 =	vlt.f32 v4, $1.000000000e+00;
	s29 =	sand.u32 $0x780, s28;
	v6 =	vand.u32 $0x7FFFFFFF, v3;
	[tilespmem:s16+$0x80] =	vst v5  }
0x6a: {  	v63 =	vsub.f32 v1, v14;
	vm0 =	vmand vm10, vm0;
	v2 =	vsub.f32 v15, v13;
	s30 =	sor.u32 $0x18800, s29;
	[tilespmem:s16+$0x100] =	vst v6  }
0x6b: {  	v7 =	vsub.f32 v15, v7;
	vm12 =	vgt.f32 v9, $8.000000110e-01;
	v4 =	vsel vm0, $0x3F800000, v0;
	[tilespmem:s16+$0x180] =	vst v6;
	s0 =	sor.u32 s0, s30  }
0x6c: {  	[tilespmem:s0+$0x0] =	vst v4;
	v4 =	vand.u32 $0x7FFFFFFF, v2;
	v2 =	vand.u32 $0x7FFFFFFF, v63;
	v3 =	vsub.f32 v1, v8  }
0x6d: {  	v1 =	vand.u32 $0x7FFFFFFF, v7;
	v7 =	vmin.f32 v5, v6;
	vm11 =	vgt.f32 v10, $8.000000110e-01;
	[tilespmem:s16+$0x200] =	vst v4  }
0x6e: {  	vm13 =	vgt.f32 v11, $8.000000110e-01;
	v8 =	vmin.f32 v4, v2;
	[tilespmem:s16+$0x280] =	vst v4;
	v3 =	vand.u32 $0x7FFFFFFF, v3  }
0x6f: {  	vm0 =	vmand vm11, vm12;
	[tilespmem:s16+$0x300] =	vst v2;
	v7 =	vmin.f32 v7, v8;
	v8 =	vmin.f32 v1, v3  }
0x70: {  	vm14 =	vgt.f32 v62, $8.000000110e-01;
	s31 =	sadd.s32 s3, s7;
	[tilespmem:s16+$0x380] =	vst v2;
	vm0 =	vmand vm0, vm13;
	v7 =	vmin.f32 v7, v8  }
0x71: {  	[tilespmem:s31+$0x0] =	vst v1;
	vm0 =	vmand vm0, vm14;
	vm15 =	vlt.f32 v7, $1.000000000e+00  }
0x72: {  	s24 =	smul.u32 $0x380, s24;
	s26 =	simm.s32 $0x100;
	s25 =	simm.s32 $0x0;
	[tilespmem:s31+$0x80] =	vst v1;
	vm0 =	vmand vm15, vm0  }
0x73: {  	s28 =	simm.s32 $0x20;
	s0 =	sadd.s32 s3, s12;
	s12 =	sor.u32 s3, s30;
	[tilespmem:s31+$0x100] =	vst v3;
	v9 =	vsel vm0, $0x3F800000, v0  }
.LBB2_4:
0x74: {  	s29 =	sand.u32 $0x60, s28;
	s7 =	sand.u32 $0x1C00, s26;
	[tilespmem:s31+$0x180] =	vst v3  }
0x75: {  	[tilespmem:s31+$0x200] =	vst v5;
	s3 =	sadd.s32 s7, s22;
	s30 =	sor.u32 $0x10, s29  }
0x76: {  	[tilespmem:s31+$0x280] =	vst v5;
	s16 =	sadd.s32 s29, s3;
	s3 =	sadd.s32 s30, s3  }
0x77: {  	s17 =	rddreg [dreg:$0x4];
	[tilespmem:s31+$0x300] =	vst v6;
	v7 =	vld [tilespmem:s3+$0x0]  }
0x78: {  	s19 =	rddreg [dreg:$0x6];
	[tilespmem:s31+$0x380] =	vst v6;
	s17 =	sadd.s32 s7, s17;
	v5 =	vld [tilespmem:s3+$0x200]  }
0x79: {  	[tilespmem:s0+$0x0] =	vst v4;
	s19 =	sadd.s32 s7, s19;
	s31 =	sadd.s32 s30, s17;
	v6 =	vld [tilespmem:s3+$0x280]  }
0x7a: {  	s2 =	rddreg [dreg:$0x5];
	[tilespmem:s0+$0x80] =	vst v4;
	s1 =	sadd.s32 s30, s19;
	v10 =	vld [tilespmem:s31+$0x200]  }
0x7b: {  	[tilespmem:s0+$0x100] =	vst v2;
	s2 =	sadd.s32 s7, s2;
	s18 =	sadd.s32 s29, s17;
	v8 =	vld [tilespmem:s1+$0x80]  }
0x7c: {  	[tilespmem:s0+$0x180] =	vst v2;
	s17 =	sadd.s32 s29, s19;
	s19 =	sadd.s32 s29, s2;
	s2 =	sadd.s32 s30, s2;
	v4 =	vld [tilespmem:s31+$0x280]  }
0x7d: {  	[tilespmem:s0+$0x200] =	vst v1;
	v11 =	vld [tilespmem:s2+$0x80]  }
0x7e: {  	[tilespmem:s0+$0x280] =	vst v1;
	v2 =	vld [tilespmem:s2+$0x200]  }
0x7f: {  	[tilespmem:s0+$0x300] =	vst v3;
	v12 =	vld [tilespmem:s2+$0x280];
	v1 =	vsub.f32 v5, v10  }
0x80: {  	[tilespmem:s0+$0x380] =	vst v3;
	v10 =	vld [tilespmem:s31+$0x80];
	s31 =	sadd.s32 s7, s23  }
0x81: {  	[tilespmem:s12+$0x0] =	vst v9;
	v3 =	vld [tilespmem:s1+$0x200];
	s2 =	sadd.s32 s30, s31;
	v13 =	vand.u32 $0x7FFFFFFF, v1;
	v1 =	vsub.f32 v6, v4  }
0x82: {  	v4 =	vld [tilespmem:s1+$0x280];
	[tilespmem:s2+$0x0] =	vst v13  }
0x83: {  	[tilespmem:s2+$0x80] =	vst v13;
	v14 =	vand.u32 $0x7FFFFFFF, v1;
	v1 =	vsub.f32 v5, v2  }
0x84: {  	[tilespmem:s2+$0x100] =	vst v14  }
0x85: {  	s12 =	rddreg [dreg:$0x7];
	[tilespmem:s2+$0x180] =	vst v14;
	v16 =	vand.u32 $0x7FFFFFFF, v1  }
0x86: {  	s1 =	sadd.s32 s7, s12;
	[tilespmem:s2+$0x200] =	vst v16  }
0x87: {  	v9 =	vld [tilespmem:s18+$0x200];
	s3 =	sadd.s32 s29, s31;
	s31 =	sadd.s32 s29, s1;
	s1 =	sadd.s32 s30, s1;
	v1 =	vsub.f32 v6, v12;
	[tilespmem:s2+$0x280] =	vst v16  }
0x88: {  	v15 =	vld [tilespmem:s19+$0x200];
	[tilespmem:s1+$0x200] =	vst v13  }
0x89: {  	v58 =	vld [tilespmem:s19+$0x280];
	v18 =	vand.u32 $0x7FFFFFFF, v1;
	[tilespmem:s1+$0x280] =	vst v13  }
0x8a: {  	v17 =	vld [tilespmem:s16+$0x200];
	[tilespmem:s2+$0x300] =	vst v18  }
0x8b: {  	v19 =	vld [tilespmem:s17+$0x200];
	v1 =	vsub.f32 v5, v3;
	[tilespmem:s2+$0x380] =	vst v18  }
0x8c: {  	v21 =	vld [tilespmem:s17+$0x280];
	[tilespmem:s1+$0x300] =	vst v14  }
0x8d: {  	v22 =	vld [tilespmem:s18+$0x80];
	v20 =	vand.u32 $0x7FFFFFFF, v1;
	v1 =	vsub.f32 v6, v4;
	[tilespmem:s1+$0x380] =	vst v14  }
0x8e: {  	v59 =	vld [tilespmem:s19+$0x80];
	[tilespmem:s1+$0x0] =	vst v20  }
0x8f: {  	v60 =	vld [tilespmem:s17+$0x80];
	v4 =	vsub.f32 v17, v15;
	[tilespmem:s1+$0x80] =	vst v20;
	v23 =	vand.u32 $0x7FFFFFFF, v1  }
0x90: {  	v3 =	vld [tilespmem:s16+$0x280];
	[tilespmem:s1+$0x100] =	vst v23  }
0x91: {  	v1 =	vsub.f32 v17, v9;
	v9 =	vld [tilespmem:s16+$0x0];
	s16 =	rddreg [dreg:$0x8];
	v4 =	vand.u32 $0x7FFFFFFF, v4;
	[tilespmem:s1+$0x180] =	vst v23  }
0x92: {  	v2 =	vld [tilespmem:s18+$0x280];
	s17 =	sadd.s32 s7, s16;
	[tilespmem:s3+$0x200] =	vst v4  }
0x93: {  	[tilespmem:s3+$0x280] =	vst v4;
	s18 =	sadd.s32 s30, s17  }
0x94: {  	[tilespmem:s18+$0x0] =	vst v16  }
0x95: {  	[tilespmem:s18+$0x80] =	vst v16  }
0x96: {  	[tilespmem:s18+$0x100] =	vst v18  }
0x97: {  	[tilespmem:s18+$0x180] =	vst v18  }
0x98: {  	vm1 =	vgt.f32 v22, $8.000000110e-01;
	vm2 =	vgt.f32 v7, $8.000000110e-01;
	vm4 =	vgt.f32 v10, $8.000000110e-01;
	[tilespmem:s18+$0x200] =	vst v20  }
0x99: {  	vm11 =	vgt.f32 v59, $8.000000110e-01;
	vm3 =	vgt.f32 v11, $8.000000110e-01;
	vm2 =	vmand vm2, vm4;
	[tilespmem:s18+$0x280] =	vst v20  }
0x9a: {  	vm12 =	vgt.f32 v8, $8.000000110e-01;
	v7 =	vmin.f32 v13, v14;
	vm2 =	vmand vm2, vm3;
	[tilespmem:s18+$0x300] =	vst v23  }
0x9b: {  	v10 =	vmin.f32 v16, v18;
	v2 =	vsub.f32 v3, v2;
	v5 =	vand.u32 $0x7FFFFFFF, v1;
	[tilespmem:s18+$0x380] =	vst v23  }
0x9c: {  	v7 =	vmin.f32 v7, v10;
	v12 =	vsub.f32 v3, v58;
	v3 =	vsub.f32 v3, v21;
	[tilespmem:s3+$0x0] =	vst v5  }
0x9d: {  	v10 =	vmin.f32 v20, v23;
	v1 =	vsub.f32 v17, v19;
	v6 =	vand.u32 $0x7FFFFFFF, v2;
	[tilespmem:s3+$0x80] =	vst v5  }
0x9e: {  	vm14 =	vgt.f32 v60, $8.000000110e-01;
	vm2 =	vmand vm2, vm12;
	v7 =	vmin.f32 v7, v10;
	[tilespmem:s3+$0x100] =	vst v6  }
0x9f: {  	s25 =	sadd.s32 $0x2, s25;
	v2 =	vand.u32 $0x7FFFFFFF, v12;
	v3 =	vand.u32 $0x7FFFFFFF, v3;
	v1 =	vand.u32 $0x7FFFFFFF, v1;
	[tilespmem:s3+$0x180] =	vst v6  }
0xa0: {  	p3 =	slt.u32 s25, $0x36;
	s19 =	rddreg [dreg:$0x9];
	v61 =	vmin.f32 v5, v6;
	v62 =	vmin.f32 v4, v2;
	[tilespmem:s3+$0x300] =	vst v2;
	vm0 =	vgt.f32 v9, $8.000000110e-01  }
.Ltmp5:
0xa1: {  	s2 =	sadd.s32 s28, s19;
	[tilespmem:s3+$0x380] =	vst v2;
	v9 =	vmin.f32 v61, v62;
	v63 =	vmin.f32 v1, v3;
	vm0 =	vmand vm0, vm1;
	(pc) =	sbr.rel @p3 .LBB2_4-.Ltmp5, $4  }
0xa2: {  	s2 =	sand.u32 $0x780, s2;
	vm13 =	vlt.f32 v7, $1.000000000e+00;
	[tilespmem:s31+$0x0] =	vst v1;
	v8 =	vmin.f32 v9, v63;
	vm0 =	vmand vm0, vm11  }
0xa3: {  	s2 =	sor.u32 $0x18800, s2;
	vm2 =	vmand vm13, vm2;
	[tilespmem:s31+$0x80] =	vst v1;
	vm15 =	vlt.f32 v8, $1.000000000e+00;
	vm0 =	vmand vm0, vm14  }
0xa4: {  	s26 =	sadd.s32 $0x100, s26;
	s30 =	sor.u32 s30, s2;
	v7 =	vsel vm2, $0x3F800000, v0;
	[tilespmem:s31+$0x100] =	vst v3;
	vm0 =	vmand vm15, vm0  }
0xa5: {  	s28 =	sadd.s32 $0x20, s28;
	s12 =	sor.u32 s29, s2;
	s0 =	sadd.s32 s29, s17;
	[tilespmem:s30+$0x0] =	vst v7;
	v9 =	vsel vm0, $0x3F800000, v0  }
0xa6: {  	[tilespmem:s31+$0x180] =	vst v3  }
0xa7: {  	[tilespmem:s31+$0x200] =	vst v5  }
0xa8: {  	[tilespmem:s31+$0x280] =	vst v5  }
0xa9: {  	[tilespmem:s31+$0x300] =	vst v6  }
0xaa: {  	[tilespmem:s31+$0x380] =	vst v6  }
0xab: {  	[tilespmem:s0+$0x0] =	vst v4  }
0xac: {  	[tilespmem:s0+$0x80] =	vst v4  }
0xad: {  	[tilespmem:s0+$0x100] =	vst v2  }
0xae: {  	[tilespmem:s0+$0x180] =	vst v2  }
0xaf: {  	[tilespmem:s0+$0x200] =	vst v1  }
0xb0: {  	[tilespmem:s0+$0x280] =	vst v1  }
0xb1: {  	[tilespmem:s0+$0x300] =	vst v3  }
0xb2: {  	p3 =	seq.s32 s20, $0x0;
	[tilespmem:s0+$0x380] =	vst v3  }
0xb3: {  	s0 =	simm.s32 @!p3 $0x2;
	[tilespmem:s12+$0x0] =	vst v9  }
0xb4: {  	_ =	swait.ge @!p3 [sflag:s0], $0x5400  }
0xb5: {  	[sflag:s0] =	ssyncset.done @!p3 $0x0  }
0xb6: {  	[sflag:s0] =	ssyncadd.s32 @!p3 $0xFFFFAC00  }
0xb7: {  	s1 =	smul.u32 $0x380, s21;
	_ =	swait.ge @!p3 [sflag:s0], $0x380  }
.Ltmp6:
0xb8: {  	[sflag:s0] =	ssyncset.done @!p3 $0x0;
	(pc) =	sbr.rel .LBB2_10-.Ltmp6, $4  }
0xb9: {  	s29 =	smul.u32 $0x70, s21;
	s28 =	sadd.s32 s11, s1;
	[sflag:s0] =	ssyncadd.s32 @!p3 $0xFFFFFC80  }
0xba: {  	[hbm4b:s28+s13] =	stream.strided.scatter [tilespmem:s23], [sflag:$0x2], $0x5400, s14, s13, $0x38;
	[tilespmem:$0x1AB80] =	vst v63  }
0xbb: {  	s31 =	sor.u32 $0x18800, s24;
	s30 =	sadd.s32 s6, s29  }
0xbc: {  	[hbm4b:s30+s4] =	stream.linear.scatter [tilespmem:s31], [sflag:$0x2], $0x380, $0x38;
	[tilespmem:$0x1AB80] =	vst v63  }
.LBB2_6:
0xbd: {  	p3 =	sne.s32 s21, $0x45C  }
.Ltmp7:
0xbe: {  	_ = 	snop;
	(pc) =	sbr.rel @p3 .LBB2_10-.Ltmp7, $1  }
0xbf: {  	_ =	sdelay $0x3  }
0xc0: {  	_ =	swait.ge [sflag:s15], $0x1000  }
0xc1: {  	[sflag:s15] =	ssyncset.done $0x0  }
0xc2: {  	s0 =	simm.s32 $0x0;
	p3 =	por $0x1, $0x1;
	[sflag:s15] =	ssyncadd.s32 $0xFFFFF000  }
.LBB2_8:
0xc3: {  	v1 =	vld [tilespmem:s0+$0x19100]  }
0xc4: {  	v2 =	vld [tilespmem:s0+$0x19500]  }
0xc5: {  	v3 =	vld [tilespmem:s0+$0x19180]  }
0xc6: {  	v4 =	vld [tilespmem:s0+$0x19580];
	_ =	sdelay $0x1  }
0xc7: {  	v5 =	vld [tilespmem:s0+$0x19900]  }
0xc8: {  	v2 =	vsub.f32 v1, v2  }
0xc9: {  	v6 =	vld [tilespmem:s0+$0x19980]  }
0xca: {  	v4 =	vsub.f32 v3, v4;
	v2 =	vand.u32 $0x7FFFFFFF, v2  }
0xcb: {  	v7 =	vld [tilespmem:s0+$0x19D00];
	[tilespmem:s0+$0x19F00] =	vst v2  }
0xcc: {  	v5 =	vsub.f32 v1, v5;
	v4 =	vand.u32 $0x7FFFFFFF, v4;
	[tilespmem:s0+$0x19F80] =	vst v2  }
0xcd: {  	v8 =	vld [tilespmem:s0+$0x19D80];
	[tilespmem:s0+$0x1A000] =	vst v4  }
0xce: {  	v6 =	vsub.f32 v3, v6;
	v5 =	vand.u32 $0x7FFFFFFF, v5;
	[tilespmem:s0+$0x1A080] =	vst v4  }
0xcf: {  	[tilespmem:s0+$0x1A100] =	vst v5  }
0xd0: {  	v1 =	vsub.f32 v1, v7;
	v6 =	vand.u32 $0x7FFFFFFF, v6;
	[tilespmem:s0+$0x1A180] =	vst v5  }
0xd1: {  	[tilespmem:s0+$0x1A200] =	vst v6  }
0xd2: {  	v3 =	vsub.f32 v3, v8;
	v1 =	vand.u32 $0x7FFFFFFF, v1;
	[tilespmem:s0+$0x1A280] =	vst v6  }
0xd3: {  	[tilespmem:s0+$0x1A300] =	vst v1  }
0xd4: {  	v3 =	vand.u32 $0x7FFFFFFF, v3;
	[tilespmem:s0+$0x1A380] =	vst v1  }
0xd5: {  	[tilespmem:s0+$0x1A400] =	vst v3  }
0xd6: {  	[tilespmem:s0+$0x1A480] =	vst v3  }
0xd7: {  	[tilespmem:s0+$0x1A500] =	vst v2  }
0xd8: {  	v9 =	vld [tilespmem:s0+$0x18F00];
	[tilespmem:s0+$0x1A580] =	vst v2  }
0xd9: {  	v10 =	vld [tilespmem:s0+$0x19380];
	[tilespmem:s0+$0x1A600] =	vst v4  }
0xda: {  	v13 =	vld [tilespmem:s0+$0x19190];
	[tilespmem:s0+$0x1A680] =	vst v4  }
0xdb: {  	v14 =	vld [tilespmem:s0+$0x19590];
	[tilespmem:s0+$0x1A700] =	vst v5  }
0xdc: {  	v52 =	vld [tilespmem:s0+$0x19110];
	[tilespmem:s0+$0x1A780] =	vst v5  }
0xdd: {  	v54 =	vld [tilespmem:s0+$0x19910];
	[tilespmem:s0+$0x1A800] =	vst v6  }
0xde: {  	[tilespmem:s0+$0x1A880] =	vst v6  }
0xdf: {  	[tilespmem:s0+$0x1A900] =	vst v1  }
0xe0: {  	v62 =	vsub.f32 v13, v14;
	[tilespmem:s0+$0x1A980] =	vst v1  }
0xe1: {  	vm0 =	vgt.f32 v9, $8.000000110e-01;
	[tilespmem:s0+$0x1AA00] =	vst v3  }
0xe2: {  	vm1 =	vgt.f32 v10, $8.000000110e-01;
	v9 =	vsub.f32 v52, v54;
	v10 =	vand.u32 $0x7FFFFFFF, v62;
	[tilespmem:s0+$0x1AA80] =	vst v3  }
0xe3: {  	v56 =	vld [tilespmem:s0+$0x19990];
	[tilespmem:s0+$0x1A010] =	vst v10  }
0xe4: {  	v9 =	vand.u32 $0x7FFFFFFF, v9;
	[tilespmem:s0+$0x1A090] =	vst v10  }
0xe5: {  	v58 =	vld [tilespmem:s0+$0x19D10];
	[tilespmem:s0+$0x1A110] =	vst v9  }
0xe6: {  	[tilespmem:s0+$0x1A190] =	vst v9  }
0xe7: {  	v59 =	vld [tilespmem:s0+$0x19D90];
	[tilespmem:s0+$0x1A610] =	vst v10  }
0xe8: {  	v55 =	vmin.f32 v5, v6;
	v5 =	vsub.f32 v13, v56;
	[tilespmem:s0+$0x1A690] =	vst v10  }
0xe9: {  	[tilespmem:s0+$0x1A710] =	vst v9  }
0xea: {  	v6 =	vsub.f32 v52, v58;
	[tilespmem:s0+$0x1A790] =	vst v9;
	v5 =	vand.u32 $0x7FFFFFFF, v5  }
0xeb: {  	v53 =	vld [tilespmem:s0+$0x19510];
	[tilespmem:s0+$0x1A210] =	vst v5  }
0xec: {  	v11 =	vld [tilespmem:s0+$0x19780];
	v2 =	vmin.f32 v2, v4;
	v4 =	vsub.f32 v13, v59;
	v6 =	vand.u32 $0x7FFFFFFF, v6;
	[tilespmem:s0+$0x1A290] =	vst v5  }
0xed: {  	v12 =	vld [tilespmem:s0+$0x19B80];
	[tilespmem:s0+$0x1A310] =	vst v6  }
0xee: {  	v57 =	vmin.f32 v1, v3;
	v2 =	vmin.f32 v2, v55;
	v4 =	vand.u32 $0x7FFFFFFF, v4;
	[tilespmem:s0+$0x1A390] =	vst v6  }
0xef: {  	v60 =	vld [tilespmem:s0+$0x19390];
	v2 =	vmin.f32 v2, v57;
	[tilespmem:s0+$0x1A410] =	vst v4  }
0xf0: {  	v1 =	vld [tilespmem:s0+$0x18F10];
	vm10 =	vlt.f32 v2, $1.000000000e+00;
	v2 =	vsub.f32 v52, v53;
	[tilespmem:s0+$0x1A490] =	vst v4  }
0xf1: {  	vm8 =	vgt.f32 v11, $8.000000110e-01;
	vm0 =	vmand vm0, vm1;
	v3 =	vld [tilespmem:s0+$0x19790];
	[tilespmem:s0+$0x1A810] =	vst v5  }
0xf2: {  	vm9 =	vgt.f32 v12, $8.000000110e-01;
	vm0 =	vmand vm0, vm8;
	[tilespmem:s0+$0x1A890] =	vst v5;
	v2 =	vand.u32 $0x7FFFFFFF, v2  }
0xf3: {  	v63 =	vld [tilespmem:s0+$0x19B90];
	vm0 =	vmand vm0, vm9;
	[tilespmem:s0+$0x19F10] =	vst v2  }
0xf4: {  	vm0 =	vmand vm10, vm0;
	[tilespmem:s0+$0x19F90] =	vst v2  }
0xf5: {  	vm12 =	vgt.f32 v60, $8.000000110e-01;
	v61 =	vsel vm0, $0x3F800000, v0;
	vm11 =	vgt.f32 v1, $8.000000110e-01;
	[tilespmem:s0+$0x1A510] =	vst v2  }
0xf6: {  	vm13 =	vgt.f32 v3, $8.000000110e-01;
	[tilespmem:s0+$0x1A590] =	vst v2;
	v1 =	vmin.f32 v2, v10;
	v2 =	vmin.f32 v9, v5  }
0xf7: {  	p4 =	por p3, p3;
	[tilespmem:s0+$0x1A910] =	vst v6;
	vm0 =	vmand vm11, vm12;
	v1 =	vmin.f32 v1, v2;
	v2 =	vmin.f32 v6, v4  }
.Ltmp8:
0xf8: {  	vm14 =	vgt.f32 v63, $8.000000110e-01;
	[tilespmem:s0+$0x1A990] =	vst v6;
	vm0 =	vmand vm0, vm13;
	v1 =	vmin.f32 v1, v2;
	(pc) =	sbr.rel @p4 .LBB2_8-.Ltmp8, $4  }
0xf9: {  	[tilespmem:s0+$0x1AA10] =	vst v4;
	vm0 =	vmand vm0, vm14;
	vm15 =	vlt.f32 v1, $1.000000000e+00  }
0xfa: {  	[tilespmem:s0+$0x1AA90] =	vst v4;
	vm0 =	vmand vm15, vm0  }
0xfb: {  	[tilespmem:s0+$0x1AB00] =	vst v61;
	v1 =	vsel vm0, $0x3F800000, v0  }
0xfc: {  	p3 =	por $0x0, $0x0;
	[tilespmem:s0+$0x1AB10] =	vst v1;
	s0 =	simm.s32 $0x20  }
0xfd: {  	p3 =	seq.s32 s20, $0x0  }
0xfe: {  	s0 =	simm.s32 @!p3 $0x2  }
0xff: {  	_ =	swait.ge @!p3 [sflag:s0], $0x5400  }
0x100: {  	[sflag:s0] =	ssyncset.done @!p3 $0x0  }
0x101: {  	[sflag:s0] =	ssyncadd.s32 @!p3 $0xFFFFAC00  }
0x102: {  	_ =	swait.ge @!p3 [sflag:s0], $0x380  }
.Ltmp9:
0x103: {  	s1 =	simm.s32 $0x400;
	[sflag:s0] =	ssyncset.done @!p3 $0x0;
	(pc) =	sbr.rel .LBB2_10-.Ltmp9, $4  }
0x104: {  	s2 =	simm.s32 $0x19F00;
	s29 =	rddreg [dreg:$0xb];
	[sflag:s0] =	ssyncadd.s32 @!p3 $0xFFFFFC80  }
0x105: {  	[hbm4b:s29+s1] =	stream.strided.scatter [tilespmem:s2], [sflag:$0x2], $0xC00, s14, s1, $0x38;
	[tilespmem:$0x1AB80] =	vst v63  }
0x106: {  	s31 =	simm.s32 $0x1AB00;
	s30 =	rddreg [dreg:$0xc]  }
0x107: {  	[hbm4b:s30+s4] =	stream.linear.scatter [tilespmem:s31], [sflag:$0x2], $0x40, $0x38;
	[tilespmem:$0x1AB80] =	vst v63  }
.LBB2_12:
0x108: {  	_ =	sfence.sel $0x180000  }
0x109: {  	[bflag:$0x0] =	sbarrier.arrive $0xFFFF  }
0x10a: {  	_ =	strace $0x90000047  }
0x10b: {  	s0 =	stileid.u32;
	[bflag:$0x2] =	sbarrier.arrive $0xFFFF  }
0x10c: {  	p0 =	sne.s32 s0, $0x0;
	s0 =	rddreg [dreg:$0x3]  }
0x10d: {  	s0 =	sadd.s32 @!p0 $0x100000, s0  }
0x10e: {  	[sflag:s0] =	ssyncadd.tile.s32 @!p0 $0x1;
	_ =	shalt  }
.Lfunc_end2:
_tile_overlayer_lowered:
.L_overlay_start_2:
0x10f: {  	(tag) =	ssettag $0x2  }
0x110: {  	s0 =	rddreg [dreg:$0x0];
	s2 =	stileid.u32  }
0x111: {  	s1 =	rddreg [dreg:$0x1];
	p0 =	sne.s32 s2, $0x0  }
0x112: {  	s3 =	rddreg [dreg:$0x2];
	[bflag:$0x3] =	sbarrier.arrive $0xFFFF;
	s2 =	simm.s32 @!p0 $0x1C03  }
0x113: {  	[timem:s3], [sflag:s2] =	dma.local @!p0 [hbm:s0], s1  }
0x114: {  	s0 =	simm.s32 @!p0 $0x3  }
0x115: {  	_ =	swait.ge @!p0 [sflag:s0], s1  }
0x116: {  	s1 =	ssub.s32 @!p0 $0x0, s1;
	[sflag:s0] =	ssyncset.done @!p0 $0x0  }
0x117: {  	[sflag:s0] =	ssyncadd.s32 @!p0 s1  }
0x118: {  	[bflag:$0x3] =	sbarrier.arrive $0xFFFF  }
0x119: {  	_ =	shalt  }

</sc_bundles>
